<compile_context>
chip_gen: v7x
topology: tpu7x:2x2x1
jax: 0.10.2.dev20260603
libtpu: 0.0.44.dev20260713+nightly
codegen_flags: <defaults>
</compile_context>

<pallas_src>
import functools

import numpy as np
import jax
import jax.numpy as jnp
from jax import lax
from jax.experimental import pallas as pl
from jax.experimental.pallas import tpu as pltpu
from jax.experimental.pallas import tpu_sc as plsc

_TABLE_ROWS = 65536
_D = 384
_NUM_ROWS = 12 * 48 * 48
_NC = 2
_NS = 16
_NW = _NC * _NS
_B_PER_W = _NUM_ROWS // _NW
_CHUNK = 96
_NCHUNK = _B_PER_W // _CHUNK

_w = np.arange(12, dtype=np.int64)[:, None, None]
_h = np.arange(48, dtype=np.int64)[None, :, None]
_f = np.arange(48, dtype=np.int64)[None, None, :]
_IDX_STATIC = (_f + _h * 64 + _w * 4096).reshape(-1).astype(np.int32)

def _sc_gather(table, idx):
    @functools.partial(
        pl.kernel,
        mesh=plsc.VectorSubcoreMesh(core_axis_name="c", subcore_axis_name="s"),
        out_type=jax.ShapeDtypeStruct((_NUM_ROWS, _D), jnp.float32),
        scratch_types=[
            pltpu.VMEM((_NCHUNK, _CHUNK), jnp.int32),
            pltpu.VMEM((_CHUNK, _D), jnp.float32),
            pltpu.VMEM((_CHUNK, _D), jnp.float32),
            pltpu.VMEM((_CHUNK, _D), jnp.float32),
            pltpu.SemaphoreType.DMA,
            pltpu.SemaphoreType.DMA,
            pltpu.SemaphoreType.DMA,
        ],
    )
    def body(table_hbm, idx_hbm, out_hbm, idx_v,
             b0, b1, b2, sg0, sg1, sg2):
        wid = lax.axis_index("s") * _NC + lax.axis_index("c")
        base = wid * _B_PER_W
        pltpu.sync_copy(idx_hbm.at[wid], idx_v)
        bufs = (b0, b1, b2)
        sg = (sg0, sg1, sg2)
        gathers = [
            pltpu.make_async_copy(
                table_hbm.at[idx_v.at[j]], bufs[j % 3], sg[j % 3])
            for j in range(_NCHUNK)
        ]
        gathers[0].start()
        gathers[1].start()
        for j in range(_NCHUNK):
            if j + 2 < _NCHUNK:
                gathers[j + 2].start()
            gathers[j].wait()
            pltpu.sync_copy(
                bufs[j % 3], out_hbm.at[pl.ds(base + j * _CHUNK, _CHUNK)])

    return body(table, idx)


def kernel(pos_embed_table, grid_size):
    offset = jnp.sum(grid_size.astype(jnp.int32)) - jnp.int32(108)
    idx = jnp.mod(jnp.asarray(_IDX_STATIC) + offset, _TABLE_ROWS)
    idx = idx.reshape(_NW, _NCHUNK, _CHUNK)
    table = pos_embed_table.reshape(_TABLE_ROWS, _D)
    out = _sc_gather(table, idx)
    return out.reshape(1, _NUM_ROWS, _D)

# --- scband reference (transcript-rebuilt; emitter-appended) ---
"""Pipeline reference for scband-pos-embed-76562087018800 (READ-ONLY COPY).

The authoritative reference and input builder live on the scoring server;
editing this copy changes nothing except your own understanding.
"""

import jax, jax.numpy as jnp
import numpy as np
import itertools

MAX_GRID = (64, 64, 16)
HIDDEN = 384


def _sincos_1d(embed_dim, pos):
    assert embed_dim % 2 == 0
    omega = np.arange(embed_dim // 2, dtype=np.float64)
    omega /= embed_dim / 2.0
    omega = 1.0 / 10000 ** omega
    pos = pos.reshape(-1)
    out = np.einsum('m,d->md', pos, omega)
    return np.concatenate([np.sin(out), np.cos(out)], axis=1)


def _sincos_3d(embed_dim, grid):
    assert embed_dim % 2 == 0
    emb_h = _sincos_1d(embed_dim // 3, grid[0])
    emb_w = _sincos_1d(embed_dim // 3, grid[1])
    emb_t = _sincos_1d(embed_dim // 3, grid[2])
    return np.concatenate([emb_h, emb_w, emb_t], axis=1)


def _build_table():
    gt = np.arange(MAX_GRID[0], dtype=np.float32)
    gw = np.arange(MAX_GRID[1], dtype=np.float32)
    gh = np.arange(MAX_GRID[2], dtype=np.float32)
    grid = np.meshgrid(gt, gw, gh)
    grid = np.stack(grid, axis=0)
    grid = grid.reshape(3, 1, MAX_GRID[0], MAX_GRID[1], MAX_GRID[2])
    pos = _sincos_3d(HIDDEN, grid)
    return jnp.asarray(pos, dtype=jnp.float32)[None, :, :]


def setup_inputs() -> dict:
    table = _build_table()
    # grid_size = (F, H, W); constrained so the (buggy-but-faithful) index formula
    # f + h*max_F + w*max_F*max_H with (w,h,f) in product(range(F),range(H),range(W))
    # stays within prod(MAX_GRID) rows: requires F <= max_W, H <= max_H, W <= max_F.
    grid_size = jnp.array([12, 48, 48], dtype=jnp.int32)
    return {"pos_embed_table": table, "grid_size": grid_size}


def reference(pos_embed_table, grid_size):
    F_, H_, W_ = 12, 48, 48
    max_F, max_H, max_W = MAX_GRID
    index = np.array([f + h * max_F + w * max_F * max_H
                      for w, h, f in itertools.product(range(F_), range(H_), range(W_))])
    idx = jnp.asarray(index, dtype=jnp.int32)
    idx = idx + (grid_size - jnp.array([F_, H_, W_], dtype=grid_size.dtype)).sum()
    return jnp.take(pos_embed_table, idx, axis=1)

if __name__ == "__main__":
    import jax
    _d = setup_inputs()
    print(jax.jit(kernel)(*tuple(_d.values())))

</pallas_src>

<mosaic_0001>
#map = affine_map<(d0, d1) -> (0, 0)>
#map1 = affine_map<(d0, d1) -> (0, 0, 0)>
module attributes {stable_mosaic.version = 14 : i64} {
  func.func @body(%arg0: i32, %arg1: i32, %arg2: memref<65536x384xf32, #tpu.memory_space<hbm>>, %arg3: memref<32x9x96xi32, #tpu.memory_space<hbm>>, %arg4: memref<27648x384xf32, #tpu.memory_space<hbm>>, %arg5: memref<9x96xi32, #tpu.memory_space<vmem>>, %arg6: memref<96x384xf32, #tpu.memory_space<vmem>>, %arg7: memref<96x384xf32, #tpu.memory_space<vmem>>, %arg8: memref<96x384xf32, #tpu.memory_space<vmem>>, %arg9: memref<!tpu.dma_semaphore, #tpu.memory_space<semaphore_mem>>, %arg10: memref<!tpu.dma_semaphore, #tpu.memory_space<semaphore_mem>>, %arg11: memref<!tpu.dma_semaphore, #tpu.memory_space<semaphore_mem>>) attributes {dimension_semantics = [#tpu.dimension_semantics<core_parallel>, #tpu.dimension_semantics<subcore_parallel>], iteration_bounds = array<i64: 2, 16>, scalar_prefetch = 0 : i64, scratch_operands = 7 : i64, tpu.core_type = #tpu.core_type<sc_vector_subcore>, window_params = [{transform_indices = #map}, {transform_indices = #map1}, {transform_indices = #map}]} {
    %mul3A = arith.constant 2 : i32
    %mul3A_0 = arith.muli %arg1, %mul3A : i32
    %add3A = arith.addi %mul3A_0, %arg0 : i32
    %mul3A_1 = arith.constant 864 : i32
    %mul3A_2 = arith.muli %add3A, %mul3A_1 : i32
    "tpu.region"() ({
      %run_scoped3A = tpu.sem_alloc : memref<!tpu.dma_semaphore, #tpu.memory_space<semaphore_mem>>
      %dma_start3A_145 = arith.constant 0 : i32
      %dma_start3A_146 = arith.constant 0 : i32
      %dma_start3A_147 = tpu.memref_slice %arg3[%add3A, %dma_start3A_145, %dma_start3A_146] : memref<32x9x96xi32, #tpu.memory_space<hbm>> -> memref<1x9x96xi32, #tpu.memory_space<hbm>>
      %dma_start3A_148 = tpu.memref_squeeze %dma_start3A_147 : memref<1x9x96xi32, #tpu.memory_space<hbm>> -> memref<9x96xi32, #tpu.memory_space<hbm>>
      %dma_start3A_149 = arith.constant 0 : i32
      %dma_start3A_150 = arith.constant 0 : i32
      %dma_start3A_151 = tpu.memref_slice %arg3[%add3A, %dma_start3A_149, %dma_start3A_150] : memref<32x9x96xi32, #tpu.memory_space<hbm>> -> memref<1x9x96xi32, #tpu.memory_space<hbm>>
      %dma_start3A_152 = tpu.memref_squeeze %dma_start3A_151 : memref<1x9x96xi32, #tpu.memory_space<hbm>> -> memref<9x96xi32, #tpu.memory_space<hbm>>
      tpu.enqueue_dma source(%dma_start3A_152 : memref<9x96xi32, #tpu.memory_space<hbm>>) target(%arg5 : memref<9x96xi32, #tpu.memory_space<vmem>>) target_semaphore(%run_scoped3A : memref<!tpu.dma_semaphore, #tpu.memory_space<semaphore_mem>>)
      %dma_wait3A_153 = arith.constant 0 : i32
      %dma_wait3A_154 = arith.constant 0 : i32
      %dma_wait3A_155 = tpu.memref_slice %arg3[%add3A, %dma_wait3A_153, %dma_wait3A_154] : memref<32x9x96xi32, #tpu.memory_space<hbm>> -> memref<1x9x96xi32, #tpu.memory_space<hbm>>
      %dma_wait3A_156 = tpu.memref_squeeze %dma_wait3A_155 : memref<1x9x96xi32, #tpu.memory_space<hbm>> -> memref<9x96xi32, #tpu.memory_space<hbm>>
      %dma_wait3A_157 = arith.constant 0 : i32
      %dma_wait3A_158 = arith.constant 0 : i32
      %dma_wait3A_159 = tpu.memref_slice %arg3[%add3A, %dma_wait3A_157, %dma_wait3A_158] : memref<32x9x96xi32, #tpu.memory_space<hbm>> -> memref<1x9x96xi32, #tpu.memory_space<hbm>>
      %dma_wait3A_160 = tpu.memref_squeeze %dma_wait3A_159 : memref<1x9x96xi32, #tpu.memory_space<hbm>> -> memref<9x96xi32, #tpu.memory_space<hbm>>
      tpu.wait_dma2 semaphore(%run_scoped3A : memref<!tpu.dma_semaphore, #tpu.memory_space<semaphore_mem>>) src(%dma_wait3A_160 : memref<9x96xi32, #tpu.memory_space<hbm>>) dst(%arg5 : memref<9x96xi32, #tpu.memory_space<vmem>>)
      tpu.yield
    }) : () -> ()
    %dma_start3A = arith.constant 0 : i32
    %dma_start3A_3 = arith.constant 0 : i32
    %dma_start3A_4 = tpu.memref_slice %arg5[%dma_start3A, %dma_start3A_3] : memref<9x96xi32, #tpu.memory_space<vmem>> -> memref<1x96xi32, #tpu.memory_space<vmem>>
    %dma_start3A_5 = tpu.memref_squeeze %dma_start3A_4 : memref<1x96xi32, #tpu.memory_space<vmem>> -> memref<96xi32, #tpu.memory_space<vmem>>
    %dma_start3A_6 = arith.constant 0 : i32
    %dma_start3A_7 = arith.constant 0 : i32
    %dma_start3A_8 = tpu.memref_slice %arg2[%dma_start3A_6, %dma_start3A_7] : memref<65536x384xf32, #tpu.memory_space<hbm>> -> memref<65536x384xf32, #tpu.memory_space<hbm>>
    tpu.enqueue_indirect_dma source(%dma_start3A_8 : memref<65536x384xf32, #tpu.memory_space<hbm>>) target(%arg6 : memref<96x384xf32, #tpu.memory_space<vmem>>) offsets(%dma_start3A_5 : memref<96xi32, #tpu.memory_space<vmem>>) semaphore(%arg9 : memref<!tpu.dma_semaphore, #tpu.memory_space<semaphore_mem>>)
    %dma_start3A_9 = arith.constant 1 : i32
    %dma_start3A_10 = arith.constant 0 : i32
    %dma_start3A_11 = tpu.memref_slice %arg5[%dma_start3A_9, %dma_start3A_10] : memref<9x96xi32, #tpu.memory_space<vmem>> -> memref<1x96xi32, #tpu.memory_space<vmem>>
    %dma_start3A_12 = tpu.memref_squeeze %dma_start3A_11 : memref<1x96xi32, #tpu.memory_space<vmem>> -> memref<96xi32, #tpu.memory_space<vmem>>
    %dma_start3A_13 = arith.constant 0 : i32
    %dma_start3A_14 = arith.constant 0 : i32
    %dma_start3A_15 = tpu.memref_slice %arg2[%dma_start3A_13, %dma_start3A_14] : memref<65536x384xf32, #tpu.memory_space<hbm>> -> memref<65536x384xf32, #tpu.memory_space<hbm>>
    tpu.enqueue_indirect_dma source(%dma_start3A_15 : memref<65536x384xf32, #tpu.memory_space<hbm>>) target(%arg7 : memref<96x384xf32, #tpu.memory_space<vmem>>) offsets(%dma_start3A_12 : memref<96xi32, #tpu.memory_space<vmem>>) semaphore(%arg10 : memref<!tpu.dma_semaphore, #tpu.memory_space<semaphore_mem>>)
    %dma_start3A_16 = arith.constant 2 : i32
    %dma_start3A_17 = arith.constant 0 : i32
    %dma_start3A_18 = tpu.memref_slice %arg5[%dma_start3A_16, %dma_start3A_17] : memref<9x96xi32, #tpu.memory_space<vmem>> -> memref<1x96xi32, #tpu.memory_space<vmem>>
    %dma_start3A_19 = tpu.memref_squeeze %dma_start3A_18 : memref<1x96xi32, #tpu.memory_space<vmem>> -> memref<96xi32, #tpu.memory_space<vmem>>
    %dma_start3A_20 = arith.constant 0 : i32
    %dma_start3A_21 = arith.constant 0 : i32
    %dma_start3A_22 = tpu.memref_slice %arg2[%dma_start3A_20, %dma_start3A_21] : memref<65536x384xf32, #tpu.memory_space<hbm>> -> memref<65536x384xf32, #tpu.memory_space<hbm>>
    tpu.enqueue_indirect_dma source(%dma_start3A_22 : memref<65536x384xf32, #tpu.memory_space<hbm>>) target(%arg8 : memref<96x384xf32, #tpu.memory_space<vmem>>) offsets(%dma_start3A_19 : memref<96xi32, #tpu.memory_space<vmem>>) semaphore(%arg11 : memref<!tpu.dma_semaphore, #tpu.memory_space<semaphore_mem>>)
    %dma_wait3A = arith.constant 0 : i32
    %dma_wait3A_23 = arith.constant 0 : i32
    %dma_wait3A_24 = tpu.memref_slice %arg5[%dma_wait3A, %dma_wait3A_23] : memref<9x96xi32, #tpu.memory_space<vmem>> -> memref<1x96xi32, #tpu.memory_space<vmem>>
    %dma_wait3A_25 = tpu.memref_squeeze %dma_wait3A_24 : memref<1x96xi32, #tpu.memory_space<vmem>> -> memref<96xi32, #tpu.memory_space<vmem>>
    %dma_wait3A_26 = arith.constant 0 : i32
    %dma_wait3A_27 = arith.constant 0 : i32
    %dma_wait3A_28 = tpu.memref_slice %arg2[%dma_wait3A_26, %dma_wait3A_27] : memref<65536x384xf32, #tpu.memory_space<hbm>> -> memref<65536x384xf32, #tpu.memory_space<hbm>>
    tpu.wait_indirect_dma semaphore(%arg9 : memref<!tpu.dma_semaphore, #tpu.memory_space<semaphore_mem>>) src(%dma_wait3A_28 : memref<65536x384xf32, #tpu.memory_space<hbm>>) dst(%arg6 : memref<96x384xf32, #tpu.memory_space<vmem>>)
    %add3A_29 = arith.constant 0 : i32
    %add3A_30 = arith.addi %mul3A_2, %add3A_29 : i32
    "tpu.region"() ({
      %run_scoped3A = tpu.sem_alloc : memref<!tpu.dma_semaphore, #tpu.memory_space<semaphore_mem>>
      %dma_start3A_145 = arith.constant 0 : i32
      %dma_start3A_146 = tpu.memref_slice %arg4[%add3A_30, %dma_start3A_145] : memref<27648x384xf32, #tpu.memory_space<hbm>> -> memref<96x384xf32, #tpu.memory_space<hbm>>
      %dma_start3A_147 = arith.constant 0 : i32
      %dma_start3A_148 = tpu.memref_slice %arg4[%add3A_30, %dma_start3A_147] : memref<27648x384xf32, #tpu.memory_space<hbm>> -> memref<96x384xf32, #tpu.memory_space<hbm>>
      tpu.enqueue_dma source(%arg6 : memref<96x384xf32, #tpu.memory_space<vmem>>) target(%dma_start3A_148 : memref<96x384xf32, #tpu.memory_space<hbm>>) target_semaphore(%run_scoped3A : memref<!tpu.dma_semaphore, #tpu.memory_space<semaphore_mem>>)
      %dma_wait3A_149 = arith.constant 0 : i32
      %dma_wait3A_150 = tpu.memref_slice %arg4[%add3A_30, %dma_wait3A_149] : memref<27648x384xf32, #tpu.memory_space<hbm>> -> memref<96x384xf32, #tpu.memory_space<hbm>>
      %dma_wait3A_151 = arith.constant 0 : i32
      %dma_wait3A_152 = tpu.memref_slice %arg4[%add3A_30, %dma_wait3A_151] : memref<27648x384xf32, #tpu.memory_space<hbm>> -> memref<96x384xf32, #tpu.memory_space<hbm>>
      tpu.wait_dma2 semaphore(%run_scoped3A : memref<!tpu.dma_semaphore, #tpu.memory_space<semaphore_mem>>) src(%arg6 : memref<96x384xf32, #tpu.memory_space<vmem>>) dst(%dma_wait3A_152 : memref<96x384xf32, #tpu.memory_space<hbm>>)
      tpu.yield
    }) : () -> ()
    %dma_start3A_31 = arith.constant 3 : i32
    %dma_start3A_32 = arith.constant 0 : i32
    %dma_start3A_33 = tpu.memref_slice %arg5[%dma_start3A_31, %dma_start3A_32] : memref<9x96xi32, #tpu.memory_space<vmem>> -> memref<1x96xi32, #tpu.memory_space<vmem>>
    %dma_start3A_34 = tpu.memref_squeeze %dma_start3A_33 : memref<1x96xi32, #tpu.memory_space<vmem>> -> memref<96xi32, #tpu.memory_space<vmem>>
    %dma_start3A_35 = arith.constant 0 : i32
    %dma_start3A_36 = arith.constant 0 : i32
    %dma_start3A_37 = tpu.memref_slice %arg2[%dma_start3A_35, %dma_start3A_36] : memref<65536x384xf32, #tpu.memory_space<hbm>> -> memref<65536x384xf32, #tpu.memory_space<hbm>>
    tpu.enqueue_indirect_dma source(%dma_start3A_37 : memref<65536x384xf32, #tpu.memory_space<hbm>>) target(%arg6 : memref<96x384xf32, #tpu.memory_space<vmem>>) offsets(%dma_start3A_34 : memref<96xi32, #tpu.memory_space<vmem>>) semaphore(%arg9 : memref<!tpu.dma_semaphore, #tpu.memory_space<semaphore_mem>>)
    %dma_wait3A_38 = arith.constant 1 : i32
    %dma_wait3A_39 = arith.constant 0 : i32
    %dma_wait3A_40 = tpu.memref_slice %arg5[%dma_wait3A_38, %dma_wait3A_39] : memref<9x96xi32, #tpu.memory_space<vmem>> -> memref<1x96xi32, #tpu.memory_space<vmem>>
    %dma_wait3A_41 = tpu.memref_squeeze %dma_wait3A_40 : memref<1x96xi32, #tpu.memory_space<vmem>> -> memref<96xi32, #tpu.memory_space<vmem>>
    %dma_wait3A_42 = arith.constant 0 : i32
    %dma_wait3A_43 = arith.constant 0 : i32
    %dma_wait3A_44 = tpu.memref_slice %arg2[%dma_wait3A_42, %dma_wait3A_43] : memref<65536x384xf32, #tpu.memory_space<hbm>> -> memref<65536x384xf32, #tpu.memory_space<hbm>>
    tpu.wait_indirect_dma semaphore(%arg10 : memref<!tpu.dma_semaphore, #tpu.memory_space<semaphore_mem>>) src(%dma_wait3A_44 : memref<65536x384xf32, #tpu.memory_space<hbm>>) dst(%arg7 : memref<96x384xf32, #tpu.memory_space<vmem>>)
    %add3A_45 = arith.constant 96 : i32
    %add3A_46 = arith.addi %mul3A_2, %add3A_45 : i32
    "tpu.region"() ({
      %run_scoped3A = tpu.sem_alloc : memref<!tpu.dma_semaphore, #tpu.memory_space<semaphore_mem>>
      %dma_start3A_145 = arith.constant 0 : i32
      %dma_start3A_146 = tpu.memref_slice %arg4[%add3A_46, %dma_start3A_145] : memref<27648x384xf32, #tpu.memory_space<hbm>> -> memref<96x384xf32, #tpu.memory_space<hbm>>
      %dma_start3A_147 = arith.constant 0 : i32
      %dma_start3A_148 = tpu.memref_slice %arg4[%add3A_46, %dma_start3A_147] : memref<27648x384xf32, #tpu.memory_space<hbm>> -> memref<96x384xf32, #tpu.memory_space<hbm>>
      tpu.enqueue_dma source(%arg7 : memref<96x384xf32, #tpu.memory_space<vmem>>) target(%dma_start3A_148 : memref<96x384xf32, #tpu.memory_space<hbm>>) target_semaphore(%run_scoped3A : memref<!tpu.dma_semaphore, #tpu.memory_space<semaphore_mem>>)
      %dma_wait3A_149 = arith.constant 0 : i32
      %dma_wait3A_150 = tpu.memref_slice %arg4[%add3A_46, %dma_wait3A_149] : memref<27648x384xf32, #tpu.memory_space<hbm>> -> memref<96x384xf32, #tpu.memory_space<hbm>>
      %dma_wait3A_151 = arith.constant 0 : i32
      %dma_wait3A_152 = tpu.memref_slice %arg4[%add3A_46, %dma_wait3A_151] : memref<27648x384xf32, #tpu.memory_space<hbm>> -> memref<96x384xf32, #tpu.memory_space<hbm>>
      tpu.wait_dma2 semaphore(%run_scoped3A : memref<!tpu.dma_semaphore, #tpu.memory_space<semaphore_mem>>) src(%arg7 : memref<96x384xf32, #tpu.memory_space<vmem>>) dst(%dma_wait3A_152 : memref<96x384xf32, #tpu.memory_space<hbm>>)
      tpu.yield
    }) : () -> ()
    %dma_start3A_47 = arith.constant 4 : i32
    %dma_start3A_48 = arith.constant 0 : i32
    %dma_start3A_49 = tpu.memref_slice %arg5[%dma_start3A_47, %dma_start3A_48] : memref<9x96xi32, #tpu.memory_space<vmem>> -> memref<1x96xi32, #tpu.memory_space<vmem>>
    %dma_start3A_50 = tpu.memref_squeeze %dma_start3A_49 : memref<1x96xi32, #tpu.memory_space<vmem>> -> memref<96xi32, #tpu.memory_space<vmem>>
    %dma_start3A_51 = arith.constant 0 : i32
    %dma_start3A_52 = arith.constant 0 : i32
    %dma_start3A_53 = tpu.memref_slice %arg2[%dma_start3A_51, %dma_start3A_52] : memref<65536x384xf32, #tpu.memory_space<hbm>> -> memref<65536x384xf32, #tpu.memory_space<hbm>>
    tpu.enqueue_indirect_dma source(%dma_start3A_53 : memref<65536x384xf32, #tpu.memory_space<hbm>>) target(%arg7 : memref<96x384xf32, #tpu.memory_space<vmem>>) offsets(%dma_start3A_50 : memref<96xi32, #tpu.memory_space<vmem>>) semaphore(%arg10 : memref<!tpu.dma_semaphore, #tpu.memory_space<semaphore_mem>>)
    %dma_wait3A_54 = arith.constant 2 : i32
    %dma_wait3A_55 = arith.constant 0 : i32
    %dma_wait3A_56 = tpu.memref_slice %arg5[%dma_wait3A_54, %dma_wait3A_55] : memref<9x96xi32, #tpu.memory_space<vmem>> -> memref<1x96xi32, #tpu.memory_space<vmem>>
    %dma_wait3A_57 = tpu.memref_squeeze %dma_wait3A_56 : memref<1x96xi32, #tpu.memory_space<vmem>> -> memref<96xi32, #tpu.memory_space<vmem>>
    %dma_wait3A_58 = arith.constant 0 : i32
    %dma_wait3A_59 = arith.constant 0 : i32
    %dma_wait3A_60 = tpu.memref_slice %arg2[%dma_wait3A_58, %dma_wait3A_59] : memref<65536x384xf32, #tpu.memory_space<hbm>> -> memref<65536x384xf32, #tpu.memory_space<hbm>>
    tpu.wait_indirect_dma semaphore(%arg11 : memref<!tpu.dma_semaphore, #tpu.memory_space<semaphore_mem>>) src(%dma_wait3A_60 : memref<65536x384xf32, #tpu.memory_space<hbm>>) dst(%arg8 : memref<96x384xf32, #tpu.memory_space<vmem>>)
    %add3A_61 = arith.constant 192 : i32
    %add3A_62 = arith.addi %mul3A_2, %add3A_61 : i32
    "tpu.region"() ({
      %run_scoped3A = tpu.sem_alloc : memref<!tpu.dma_semaphore, #tpu.memory_space<semaphore_mem>>
      %dma_start3A_145 = arith.constant 0 : i32
      %dma_start3A_146 = tpu.memref_slice %arg4[%add3A_62, %dma_start3A_145] : memref<27648x384xf32, #tpu.memory_space<hbm>> -> memref<96x384xf32, #tpu.memory_space<hbm>>
      %dma_start3A_147 = arith.constant 0 : i32
      %dma_start3A_148 = tpu.memref_slice %arg4[%add3A_62, %dma_start3A_147] : memref<27648x384xf32, #tpu.memory_space<hbm>> -> memref<96x384xf32, #tpu.memory_space<hbm>>
      tpu.enqueue_dma source(%arg8 : memref<96x384xf32, #tpu.memory_space<vmem>>) target(%dma_start3A_148 : memref<96x384xf32, #tpu.memory_space<hbm>>) target_semaphore(%run_scoped3A : memref<!tpu.dma_semaphore, #tpu.memory_space<semaphore_mem>>)
      %dma_wait3A_149 = arith.constant 0 : i32
      %dma_wait3A_150 = tpu.memref_slice %arg4[%add3A_62, %dma_wait3A_149] : memref<27648x384xf32, #tpu.memory_space<hbm>> -> memref<96x384xf32, #tpu.memory_space<hbm>>
      %dma_wait3A_151 = arith.constant 0 : i32
      %dma_wait3A_152 = tpu.memref_slice %arg4[%add3A_62, %dma_wait3A_151] : memref<27648x384xf32, #tpu.memory_space<hbm>> -> memref<96x384xf32, #tpu.memory_space<hbm>>
      tpu.wait_dma2 semaphore(%run_scoped3A : memref<!tpu.dma_semaphore, #tpu.memory_space<semaphore_mem>>) src(%arg8 : memref<96x384xf32, #tpu.memory_space<vmem>>) dst(%dma_wait3A_152 : memref<96x384xf32, #tpu.memory_space<hbm>>)
      tpu.yield
    }) : () -> ()
    %dma_start3A_63 = arith.constant 5 : i32
    %dma_start3A_64 = arith.constant 0 : i32
    %dma_start3A_65 = tpu.memref_slice %arg5[%dma_start3A_63, %dma_start3A_64] : memref<9x96xi32, #tpu.memory_space<vmem>> -> memref<1x96xi32, #tpu.memory_space<vmem>>
    %dma_start3A_66 = tpu.memref_squeeze %dma_start3A_65 : memref<1x96xi32, #tpu.memory_space<vmem>> -> memref<96xi32, #tpu.memory_space<vmem>>
    %dma_start3A_67 = arith.constant 0 : i32
    %dma_start3A_68 = arith.constant 0 : i32
    %dma_start3A_69 = tpu.memref_slice %arg2[%dma_start3A_67, %dma_start3A_68] : memref<65536x384xf32, #tpu.memory_space<hbm>> -> memref<65536x384xf32, #tpu.memory_space<hbm>>
    tpu.enqueue_indirect_dma source(%dma_start3A_69 : memref<65536x384xf32, #tpu.memory_space<hbm>>) target(%arg8 : memref<96x384xf32, #tpu.memory_space<vmem>>) offsets(%dma_start3A_66 : memref<96xi32, #tpu.memory_space<vmem>>) semaphore(%arg11 : memref<!tpu.dma_semaphore, #tpu.memory_space<semaphore_mem>>)
    %dma_wait3A_70 = arith.constant 3 : i32
    %dma_wait3A_71 = arith.constant 0 : i32
    %dma_wait3A_72 = tpu.memref_slice %arg5[%dma_wait3A_70, %dma_wait3A_71] : memref<9x96xi32, #tpu.memory_space<vmem>> -> memref<1x96xi32, #tpu.memory_space<vmem>>
    %dma_wait3A_73 = tpu.memref_squeeze %dma_wait3A_72 : memref<1x96xi32, #tpu.memory_space<vmem>> -> memref<96xi32, #tpu.memory_space<vmem>>
    %dma_wait3A_74 = arith.constant 0 : i32
    %dma_wait3A_75 = arith.constant 0 : i32
    %dma_wait3A_76 = tpu.memref_slice %arg2[%dma_wait3A_74, %dma_wait3A_75] : memref<65536x384xf32, #tpu.memory_space<hbm>> -> memref<65536x384xf32, #tpu.memory_space<hbm>>
    tpu.wait_indirect_dma semaphore(%arg9 : memref<!tpu.dma_semaphore, #tpu.memory_space<semaphore_mem>>) src(%dma_wait3A_76 : memref<65536x384xf32, #tpu.memory_space<hbm>>) dst(%arg6 : memref<96x384xf32, #tpu.memory_space<vmem>>)
    %add3A_77 = arith.constant 288 : i32
    %add3A_78 = arith.addi %mul3A_2, %add3A_77 : i32
    "tpu.region"() ({
      %run_scoped3A = tpu.sem_alloc : memref<!tpu.dma_semaphore, #tpu.memory_space<semaphore_mem>>
      %dma_start3A_145 = arith.constant 0 : i32
      %dma_start3A_146 = tpu.memref_slice %arg4[%add3A_78, %dma_start3A_145] : memref<27648x384xf32, #tpu.memory_space<hbm>> -> memref<96x384xf32, #tpu.memory_space<hbm>>
      %dma_start3A_147 = arith.constant 0 : i32
      %dma_start3A_148 = tpu.memref_slice %arg4[%add3A_78, %dma_start3A_147] : memref<27648x384xf32, #tpu.memory_space<hbm>> -> memref<96x384xf32, #tpu.memory_space<hbm>>
      tpu.enqueue_dma source(%arg6 : memref<96x384xf32, #tpu.memory_space<vmem>>) target(%dma_start3A_148 : memref<96x384xf32, #tpu.memory_space<hbm>>) target_semaphore(%run_scoped3A : memref<!tpu.dma_semaphore, #tpu.memory_space<semaphore_mem>>)
      %dma_wait3A_149 = arith.constant 0 : i32
      %dma_wait3A_150 = tpu.memref_slice %arg4[%add3A_78, %dma_wait3A_149] : memref<27648x384xf32, #tpu.memory_space<hbm>> -> memref<96x384xf32, #tpu.memory_space<hbm>>
      %dma_wait3A_151 = arith.constant 0 : i32
      %dma_wait3A_152 = tpu.memref_slice %arg4[%add3A_78, %dma_wait3A_151] : memref<27648x384xf32, #tpu.memory_space<hbm>> -> memref<96x384xf32, #tpu.memory_space<hbm>>
      tpu.wait_dma2 semaphore(%run_scoped3A : memref<!tpu.dma_semaphore, #tpu.memory_space<semaphore_mem>>) src(%arg6 : memref<96x384xf32, #tpu.memory_space<vmem>>) dst(%dma_wait3A_152 : memref<96x384xf32, #tpu.memory_space<hbm>>)
      tpu.yield
    }) : () -> ()
    %dma_start3A_79 = arith.constant 6 : i32
    %dma_start3A_80 = arith.constant 0 : i32
    %dma_start3A_81 = tpu.memref_slice %arg5[%dma_start3A_79, %dma_start3A_80] : memref<9x96xi32, #tpu.memory_space<vmem>> -> memref<1x96xi32, #tpu.memory_space<vmem>>
    %dma_start3A_82 = tpu.memref_squeeze %dma_start3A_81 : memref<1x96xi32, #tpu.memory_space<vmem>> -> memref<96xi32, #tpu.memory_space<vmem>>
    %dma_start3A_83 = arith.constant 0 : i32
    %dma_start3A_84 = arith.constant 0 : i32
    %dma_start3A_85 = tpu.memref_slice %arg2[%dma_start3A_83, %dma_start3A_84] : memref<65536x384xf32, #tpu.memory_space<hbm>> -> memref<65536x384xf32, #tpu.memory_space<hbm>>
    tpu.enqueue_indirect_dma source(%dma_start3A_85 : memref<65536x384xf32, #tpu.memory_space<hbm>>) target(%arg6 : memref<96x384xf32, #tpu.memory_space<vmem>>) offsets(%dma_start3A_82 : memref<96xi32, #tpu.memory_space<vmem>>) semaphore(%arg9 : memref<!tpu.dma_semaphore, #tpu.memory_space<semaphore_mem>>)
    %dma_wait3A_86 = arith.constant 4 : i32
    %dma_wait3A_87 = arith.constant 0 : i32
    %dma_wait3A_88 = tpu.memref_slice %arg5[%dma_wait3A_86, %dma_wait3A_87] : memref<9x96xi32, #tpu.memory_space<vmem>> -> memref<1x96xi32, #tpu.memory_space<vmem>>
    %dma_wait3A_89 = tpu.memref_squeeze %dma_wait3A_88 : memref<1x96xi32, #tpu.memory_space<vmem>> -> memref<96xi32, #tpu.memory_space<vmem>>
    %dma_wait3A_90 = arith.constant 0 : i32
    %dma_wait3A_91 = arith.constant 0 : i32
    %dma_wait3A_92 = tpu.memref_slice %arg2[%dma_wait3A_90, %dma_wait3A_91] : memref<65536x384xf32, #tpu.memory_space<hbm>> -> memref<65536x384xf32, #tpu.memory_space<hbm>>
    tpu.wait_indirect_dma semaphore(%arg10 : memref<!tpu.dma_semaphore, #tpu.memory_space<semaphore_mem>>) src(%dma_wait3A_92 : memref<65536x384xf32, #tpu.memory_space<hbm>>) dst(%arg7 : memref<96x384xf32, #tpu.memory_space<vmem>>)
    %add3A_93 = arith.constant 384 : i32
    %add3A_94 = arith.addi %mul3A_2, %add3A_93 : i32
    "tpu.region"() ({
      %run_scoped3A = tpu.sem_alloc : memref<!tpu.dma_semaphore, #tpu.memory_space<semaphore_mem>>
      %dma_start3A_145 = arith.constant 0 : i32
      %dma_start3A_146 = tpu.memref_slice %arg4[%add3A_94, %dma_start3A_145] : memref<27648x384xf32, #tpu.memory_space<hbm>> -> memref<96x384xf32, #tpu.memory_space<hbm>>
      %dma_start3A_147 = arith.constant 0 : i32
      %dma_start3A_148 = tpu.memref_slice %arg4[%add3A_94, %dma_start3A_147] : memref<27648x384xf32, #tpu.memory_space<hbm>> -> memref<96x384xf32, #tpu.memory_space<hbm>>
      tpu.enqueue_dma source(%arg7 : memref<96x384xf32, #tpu.memory_space<vmem>>) target(%dma_start3A_148 : memref<96x384xf32, #tpu.memory_space<hbm>>) target_semaphore(%run_scoped3A : memref<!tpu.dma_semaphore, #tpu.memory_space<semaphore_mem>>)
      %dma_wait3A_149 = arith.constant 0 : i32
      %dma_wait3A_150 = tpu.memref_slice %arg4[%add3A_94, %dma_wait3A_149] : memref<27648x384xf32, #tpu.memory_space<hbm>> -> memref<96x384xf32, #tpu.memory_space<hbm>>
      %dma_wait3A_151 = arith.constant 0 : i32
      %dma_wait3A_152 = tpu.memref_slice %arg4[%add3A_94, %dma_wait3A_151] : memref<27648x384xf32, #tpu.memory_space<hbm>> -> memref<96x384xf32, #tpu.memory_space<hbm>>
      tpu.wait_dma2 semaphore(%run_scoped3A : memref<!tpu.dma_semaphore, #tpu.memory_space<semaphore_mem>>) src(%arg7 : memref<96x384xf32, #tpu.memory_space<vmem>>) dst(%dma_wait3A_152 : memref<96x384xf32, #tpu.memory_space<hbm>>)
      tpu.yield
    }) : () -> ()
    %dma_start3A_95 = arith.constant 7 : i32
    %dma_start3A_96 = arith.constant 0 : i32
    %dma_start3A_97 = tpu.memref_slice %arg5[%dma_start3A_95, %dma_start3A_96] : memref<9x96xi32, #tpu.memory_space<vmem>> -> memref<1x96xi32, #tpu.memory_space<vmem>>
    %dma_start3A_98 = tpu.memref_squeeze %dma_start3A_97 : memref<1x96xi32, #tpu.memory_space<vmem>> -> memref<96xi32, #tpu.memory_space<vmem>>
    %dma_start3A_99 = arith.constant 0 : i32
    %dma_start3A_100 = arith.constant 0 : i32
    %dma_start3A_101 = tpu.memref_slice %arg2[%dma_start3A_99, %dma_start3A_100] : memref<65536x384xf32, #tpu.memory_space<hbm>> -> memref<65536x384xf32, #tpu.memory_space<hbm>>
    tpu.enqueue_indirect_dma source(%dma_start3A_101 : memref<65536x384xf32, #tpu.memory_space<hbm>>) target(%arg7 : memref<96x384xf32, #tpu.memory_space<vmem>>) offsets(%dma_start3A_98 : memref<96xi32, #tpu.memory_space<vmem>>) semaphore(%arg10 : memref<!tpu.dma_semaphore, #tpu.memory_space<semaphore_mem>>)
    %dma_wait3A_102 = arith.constant 5 : i32
    %dma_wait3A_103 = arith.constant 0 : i32
    %dma_wait3A_104 = tpu.memref_slice %arg5[%dma_wait3A_102, %dma_wait3A_103] : memref<9x96xi32, #tpu.memory_space<vmem>> -> memref<1x96xi32, #tpu.memory_space<vmem>>
    %dma_wait3A_105 = tpu.memref_squeeze %dma_wait3A_104 : memref<1x96xi32, #tpu.memory_space<vmem>> -> memref<96xi32, #tpu.memory_space<vmem>>
    %dma_wait3A_106 = arith.constant 0 : i32
    %dma_wait3A_107 = arith.constant 0 : i32
    %dma_wait3A_108 = tpu.memref_slice %arg2[%dma_wait3A_106, %dma_wait3A_107] : memref<65536x384xf32, #tpu.memory_space<hbm>> -> memref<65536x384xf32, #tpu.memory_space<hbm>>
    tpu.wait_indirect_dma semaphore(%arg11 : memref<!tpu.dma_semaphore, #tpu.memory_space<semaphore_mem>>) src(%dma_wait3A_108 : memref<65536x384xf32, #tpu.memory_space<hbm>>) dst(%arg8 : memref<96x384xf32, #tpu.memory_space<vmem>>)
    %add3A_109 = arith.constant 480 : i32
    %add3A_110 = arith.addi %mul3A_2, %add3A_109 : i32
    "tpu.region"() ({
      %run_scoped3A = tpu.sem_alloc : memref<!tpu.dma_semaphore, #tpu.memory_space<semaphore_mem>>
      %dma_start3A_145 = arith.constant 0 : i32
      %dma_start3A_146 = tpu.memref_slice %arg4[%add3A_110, %dma_start3A_145] : memref<27648x384xf32, #tpu.memory_space<hbm>> -> memref<96x384xf32, #tpu.memory_space<hbm>>
      %dma_start3A_147 = arith.constant 0 : i32
      %dma_start3A_148 = tpu.memref_slice %arg4[%add3A_110, %dma_start3A_147] : memref<27648x384xf32, #tpu.memory_space<hbm>> -> memref<96x384xf32, #tpu.memory_space<hbm>>
      tpu.enqueue_dma source(%arg8 : memref<96x384xf32, #tpu.memory_space<vmem>>) target(%dma_start3A_148 : memref<96x384xf32, #tpu.memory_space<hbm>>) target_semaphore(%run_scoped3A : memref<!tpu.dma_semaphore, #tpu.memory_space<semaphore_mem>>)
      %dma_wait3A_149 = arith.constant 0 : i32
      %dma_wait3A_150 = tpu.memref_slice %arg4[%add3A_110, %dma_wait3A_149] : memref<27648x384xf32, #tpu.memory_space<hbm>> -> memref<96x384xf32, #tpu.memory_space<hbm>>
      %dma_wait3A_151 = arith.constant 0 : i32
      %dma_wait3A_152 = tpu.memref_slice %arg4[%add3A_110, %dma_wait3A_151] : memref<27648x384xf32, #tpu.memory_space<hbm>> -> memref<96x384xf32, #tpu.memory_space<hbm>>
      tpu.wait_dma2 semaphore(%run_scoped3A : memref<!tpu.dma_semaphore, #tpu.memory_space<semaphore_mem>>) src(%arg8 : memref<96x384xf32, #tpu.memory_space<vmem>>) dst(%dma_wait3A_152 : memref<96x384xf32, #tpu.memory_space<hbm>>)
      tpu.yield
    }) : () -> ()
    %dma_start3A_111 = arith.constant 8 : i32
    %dma_start3A_112 = arith.constant 0 : i32
    %dma_start3A_113 = tpu.memref_slice %arg5[%dma_start3A_111, %dma_start3A_112] : memref<9x96xi32, #tpu.memory_space<vmem>> -> memref<1x96xi32, #tpu.memory_space<vmem>>
    %dma_start3A_114 = tpu.memref_squeeze %dma_start3A_113 : memref<1x96xi32, #tpu.memory_space<vmem>> -> memref<96xi32, #tpu.memory_space<vmem>>
    %dma_start3A_115 = arith.constant 0 : i32
    %dma_start3A_116 = arith.constant 0 : i32
    %dma_start3A_117 = tpu.memref_slice %arg2[%dma_start3A_115, %dma_start3A_116] : memref<65536x384xf32, #tpu.memory_space<hbm>> -> memref<65536x384xf32, #tpu.memory_space<hbm>>
    tpu.enqueue_indirect_dma source(%dma_start3A_117 : memref<65536x384xf32, #tpu.memory_space<hbm>>) target(%arg8 : memref<96x384xf32, #tpu.memory_space<vmem>>) offsets(%dma_start3A_114 : memref<96xi32, #tpu.memory_space<vmem>>) semaphore(%arg11 : memref<!tpu.dma_semaphore, #tpu.memory_space<semaphore_mem>>)
    %dma_wait3A_118 = arith.constant 6 : i32
    %dma_wait3A_119 = arith.constant 0 : i32
    %dma_wait3A_120 = tpu.memref_slice %arg5[%dma_wait3A_118, %dma_wait3A_119] : memref<9x96xi32, #tpu.memory_space<vmem>> -> memref<1x96xi32, #tpu.memory_space<vmem>>
    %dma_wait3A_121 = tpu.memref_squeeze %dma_wait3A_120 : memref<1x96xi32, #tpu.memory_space<vmem>> -> memref<96xi32, #tpu.memory_space<vmem>>
    %dma_wait3A_122 = arith.constant 0 : i32
    %dma_wait3A_123 = arith.constant 0 : i32
    %dma_wait3A_124 = tpu.memref_slice %arg2[%dma_wait3A_122, %dma_wait3A_123] : memref<65536x384xf32, #tpu.memory_space<hbm>> -> memref<65536x384xf32, #tpu.memory_space<hbm>>
    tpu.wait_indirect_dma semaphore(%arg9 : memref<!tpu.dma_semaphore, #tpu.memory_space<semaphore_mem>>) src(%dma_wait3A_124 : memref<65536x384xf32, #tpu.memory_space<hbm>>) dst(%arg6 : memref<96x384xf32, #tpu.memory_space<vmem>>)
    %add3A_125 = arith.constant 576 : i32
    %add3A_126 = arith.addi %mul3A_2, %add3A_125 : i32
    "tpu.region"() ({
      %run_scoped3A = tpu.sem_alloc : memref<!tpu.dma_semaphore, #tpu.memory_space<semaphore_mem>>
      %dma_start3A_145 = arith.constant 0 : i32
      %dma_start3A_146 = tpu.memref_slice %arg4[%add3A_126, %dma_start3A_145] : memref<27648x384xf32, #tpu.memory_space<hbm>> -> memref<96x384xf32, #tpu.memory_space<hbm>>
      %dma_start3A_147 = arith.constant 0 : i32
      %dma_start3A_148 = tpu.memref_slice %arg4[%add3A_126, %dma_start3A_147] : memref<27648x384xf32, #tpu.memory_space<hbm>> -> memref<96x384xf32, #tpu.memory_space<hbm>>
      tpu.enqueue_dma source(%arg6 : memref<96x384xf32, #tpu.memory_space<vmem>>) target(%dma_start3A_148 : memref<96x384xf32, #tpu.memory_space<hbm>>) target_semaphore(%run_scoped3A : memref<!tpu.dma_semaphore, #tpu.memory_space<semaphore_mem>>)
      %dma_wait3A_149 = arith.constant 0 : i32
      %dma_wait3A_150 = tpu.memref_slice %arg4[%add3A_126, %dma_wait3A_149] : memref<27648x384xf32, #tpu.memory_space<hbm>> -> memref<96x384xf32, #tpu.memory_space<hbm>>
      %dma_wait3A_151 = arith.constant 0 : i32
      %dma_wait3A_152 = tpu.memref_slice %arg4[%add3A_126, %dma_wait3A_151] : memref<27648x384xf32, #tpu.memory_space<hbm>> -> memref<96x384xf32, #tpu.memory_space<hbm>>
      tpu.wait_dma2 semaphore(%run_scoped3A : memref<!tpu.dma_semaphore, #tpu.memory_space<semaphore_mem>>) src(%arg6 : memref<96x384xf32, #tpu.memory_space<vmem>>) dst(%dma_wait3A_152 : memref<96x384xf32, #tpu.memory_space<hbm>>)
      tpu.yield
    }) : () -> ()
    %dma_wait3A_127 = arith.constant 7 : i32
    %dma_wait3A_128 = arith.constant 0 : i32
    %dma_wait3A_129 = tpu.memref_slice %arg5[%dma_wait3A_127, %dma_wait3A_128] : memref<9x96xi32, #tpu.memory_space<vmem>> -> memref<1x96xi32, #tpu.memory_space<vmem>>
    %dma_wait3A_130 = tpu.memref_squeeze %dma_wait3A_129 : memref<1x96xi32, #tpu.memory_space<vmem>> -> memref<96xi32, #tpu.memory_space<vmem>>
    %dma_wait3A_131 = arith.constant 0 : i32
    %dma_wait3A_132 = arith.constant 0 : i32
    %dma_wait3A_133 = tpu.memref_slice %arg2[%dma_wait3A_131, %dma_wait3A_132] : memref<65536x384xf32, #tpu.memory_space<hbm>> -> memref<65536x384xf32, #tpu.memory_space<hbm>>
    tpu.wait_indirect_dma semaphore(%arg10 : memref<!tpu.dma_semaphore, #tpu.memory_space<semaphore_mem>>) src(%dma_wait3A_133 : memref<65536x384xf32, #tpu.memory_space<hbm>>) dst(%arg7 : memref<96x384xf32, #tpu.memory_space<vmem>>)
    %add3A_134 = arith.constant 672 : i32
    %add3A_135 = arith.addi %mul3A_2, %add3A_134 : i32
    "tpu.region"() ({
      %run_scoped3A = tpu.sem_alloc : memref<!tpu.dma_semaphore, #tpu.memory_space<semaphore_mem>>
      %dma_start3A_145 = arith.constant 0 : i32
      %dma_start3A_146 = tpu.memref_slice %arg4[%add3A_135, %dma_start3A_145] : memref<27648x384xf32, #tpu.memory_space<hbm>> -> memref<96x384xf32, #tpu.memory_space<hbm>>
      %dma_start3A_147 = arith.constant 0 : i32
      %dma_start3A_148 = tpu.memref_slice %arg4[%add3A_135, %dma_start3A_147] : memref<27648x384xf32, #tpu.memory_space<hbm>> -> memref<96x384xf32, #tpu.memory_space<hbm>>
      tpu.enqueue_dma source(%arg7 : memref<96x384xf32, #tpu.memory_space<vmem>>) target(%dma_start3A_148 : memref<96x384xf32, #tpu.memory_space<hbm>>) target_semaphore(%run_scoped3A : memref<!tpu.dma_semaphore, #tpu.memory_space<semaphore_mem>>)
      %dma_wait3A_149 = arith.constant 0 : i32
      %dma_wait3A_150 = tpu.memref_slice %arg4[%add3A_135, %dma_wait3A_149] : memref<27648x384xf32, #tpu.memory_space<hbm>> -> memref<96x384xf32, #tpu.memory_space<hbm>>
      %dma_wait3A_151 = arith.constant 0 : i32
      %dma_wait3A_152 = tpu.memref_slice %arg4[%add3A_135, %dma_wait3A_151] : memref<27648x384xf32, #tpu.memory_space<hbm>> -> memref<96x384xf32, #tpu.memory_space<hbm>>
      tpu.wait_dma2 semaphore(%run_scoped3A : memref<!tpu.dma_semaphore, #tpu.memory_space<semaphore_mem>>) src(%arg7 : memref<96x384xf32, #tpu.memory_space<vmem>>) dst(%dma_wait3A_152 : memref<96x384xf32, #tpu.memory_space<hbm>>)
      tpu.yield
    }) : () -> ()
    %dma_wait3A_136 = arith.constant 8 : i32
    %dma_wait3A_137 = arith.constant 0 : i32
    %dma_wait3A_138 = tpu.memref_slice %arg5[%dma_wait3A_136, %dma_wait3A_137] : memref<9x96xi32, #tpu.memory_space<vmem>> -> memref<1x96xi32, #tpu.memory_space<vmem>>
    %dma_wait3A_139 = tpu.memref_squeeze %dma_wait3A_138 : memref<1x96xi32, #tpu.memory_space<vmem>> -> memref<96xi32, #tpu.memory_space<vmem>>
    %dma_wait3A_140 = arith.constant 0 : i32
    %dma_wait3A_141 = arith.constant 0 : i32
    %dma_wait3A_142 = tpu.memref_slice %arg2[%dma_wait3A_140, %dma_wait3A_141] : memref<65536x384xf32, #tpu.memory_space<hbm>> -> memref<65536x384xf32, #tpu.memory_space<hbm>>
    tpu.wait_indirect_dma semaphore(%arg11 : memref<!tpu.dma_semaphore, #tpu.memory_space<semaphore_mem>>) src(%dma_wait3A_142 : memref<65536x384xf32, #tpu.memory_space<hbm>>) dst(%arg8 : memref<96x384xf32, #tpu.memory_space<vmem>>)
    %add3A_143 = arith.constant 768 : i32
    %add3A_144 = arith.addi %mul3A_2, %add3A_143 : i32
    "tpu.region"() ({
      %run_scoped3A = tpu.sem_alloc : memref<!tpu.dma_semaphore, #tpu.memory_space<semaphore_mem>>
      %dma_start3A_145 = arith.constant 0 : i32
      %dma_start3A_146 = tpu.memref_slice %arg4[%add3A_144, %dma_start3A_145] : memref<27648x384xf32, #tpu.memory_space<hbm>> -> memref<96x384xf32, #tpu.memory_space<hbm>>
      %dma_start3A_147 = arith.constant 0 : i32
      %dma_start3A_148 = tpu.memref_slice %arg4[%add3A_144, %dma_start3A_147] : memref<27648x384xf32, #tpu.memory_space<hbm>> -> memref<96x384xf32, #tpu.memory_space<hbm>>
      tpu.enqueue_dma source(%arg8 : memref<96x384xf32, #tpu.memory_space<vmem>>) target(%dma_start3A_148 : memref<96x384xf32, #tpu.memory_space<hbm>>) target_semaphore(%run_scoped3A : memref<!tpu.dma_semaphore, #tpu.memory_space<semaphore_mem>>)
      %dma_wait3A_149 = arith.constant 0 : i32
      %dma_wait3A_150 = tpu.memref_slice %arg4[%add3A_144, %dma_wait3A_149] : memref<27648x384xf32, #tpu.memory_space<hbm>> -> memref<96x384xf32, #tpu.memory_space<hbm>>
      %dma_wait3A_151 = arith.constant 0 : i32
      %dma_wait3A_152 = tpu.memref_slice %arg4[%add3A_144, %dma_wait3A_151] : memref<27648x384xf32, #tpu.memory_space<hbm>> -> memref<96x384xf32, #tpu.memory_space<hbm>>
      tpu.wait_dma2 semaphore(%run_scoped3A : memref<!tpu.dma_semaphore, #tpu.memory_space<semaphore_mem>>) src(%arg8 : memref<96x384xf32, #tpu.memory_space<vmem>>) dst(%dma_wait3A_152 : memref<96x384xf32, #tpu.memory_space<hbm>>)
      tpu.yield
    }) : () -> ()
    return
  }
}

</mosaic_0001>

<sc_bundles>
// kernel: kernel.3.cloned.1.call-start
scs
__scs_entry_jumppad:
0x0: {  	(pc) =	sbr.rel $0x88, $3  }
0x1: {  	(tag) =	ssettag $0x0;
	lr =	simm.s32 $0x1  }
0x2: {  	[smem:$0x3F9F] =	sst lr;
	_ =	strace $0xD0000000  }
0x3: {  	_ = 	snop  }
0x4: {  	_ = 	snop  }
0x5: {  	_ = 	snop  }
0x6: {  	_ = 	snop  }
0x7: {  	_ = 	snop  }
__scs_overlays_trampoline_lowered:
0x8: {  	[smem:$0x3FAE] =	sst s0  }
0x9: {  	[smem:$0x3FAF] =	sst s1  }
0xa: {  	[smem:$0x3FB0] =	sst s2  }
0xb: {  	[smem:$0x3FB1] =	sst s3  }
0xc: {  	[smem:$0x3FB2] =	sst s4  }
0xd: {  	[smem:$0x3FB3] =	sst s5  }
0xe: {  	[smem:$0x3FB4] =	sst s6  }
0xf: {  	[smem:$0x3FB5] =	sst s7  }
0x10: {  	[smem:$0x3FB6] =	sst s8  }
0x11: {  	[smem:$0x3FB7] =	sst s9;
	s0 =	simm.s32 @!p0 $0x0  }
0x12: {  	s1 =	sld [smem:$0x3F9D];
	s0 =	simm.s32 @p0 $0x1  }
0x13: {  	[smem:$0x3FB8] =	sst s0;
	s0 =	simm.s32 @!p1 $0x0  }
0x14: {  	s2 =	sld [smem:$0x3F9C];
	s0 =	simm.s32 @p1 $0x1  }
0x15: {  	[smem:$0x3FB9] =	sst s0;
	s0 =	simm.s32 @!p2 $0x0  }
0x16: {  	s3 =	sld [smem:$0x3FDB];
	s0 =	simm.s32 @p2 $0x1  }
0x17: {  	s4 =	simm.s32 $0x1BF5;
	[smem:$0x3FBB] =	sst s0  }
0x18: {  	s0 =	sld [smem:$0x3F9E];
	_ =	swait.ge [sflag:s4], $0x0  }
0x19: {  	s7 =	sld [smem:$0x3F9F]  }
0x1a: {  	s8 =	sadd.s32 $0xFFFFE003, lr  }
0x1b: {  	s9 =	sadd.s32 $0xFFFFFEF7, lr;
	s5 =	simm.s32 $0xFFFFFFFF;
	p2 =	slt.u32 s8, $0xFFFFF086  }
0x1c: {  	p1 =	slt.u32 s9, $0xF7A;
	s5 =	simm.s32 @!p2 $0x0  }
0x1d: {  	s5 =	simm.s32 @p1 $0x1;
	p0 =	seq.s32 s7, s2  }
0x1e: {  	s7 =	smul.u32 @!p0 $0xF7A, s2;
	p2 =	seq.s32 @!p0 s5, $0x0  }
0x1f: {  	s9 =	smul.u32 $0xF7A, s1;
	s8 =	simm.s32 @!p0 $0x1BF5;
	p2 =	por !p2, p0  }
0x20: {  	[sflag:s8] =	ssyncset.s32 @!p0 $0xFFFFF086;
	s6 =	sadd.s32 @!p0 s3, s7;
	s7 =	simm.s32 @!p0 $0x108  }
0x21: {  	s3 =	sadd.s32 s3, s9;
	s6 =	sadd.s32 @!p0 $0x88, s6;
	s7 =	simm.s32 @p2 $0x1082  }
0x22: {  	[simem:s7], [sflag:s8] =	dma.local @!p0 [hbm:s6], $0xF7A  }
0x23: {  	s9 =	sor.u32 $0xD0000000, s2;
	s6 =	simm.s32 $0x108;
	_ =	swait.ge @!p0 [sflag:s8], $0x0  }
0x24: {  	s3 =	sadd.s32 $0x88, s3;
	s6 =	simm.s32 @!p1 $0x1082;
	[sflag:s4] =	ssyncset.s32 $0xFFFFF086  }
0x25: {  	[simem:s6], [sflag:s4] =	dma.local [hbm:s3], $0xF7A  }
0x26: {  	[smem:$0x3F9F] =	sst s1;
	(tag) =	ssettag s2;
	_ =	strace s9  }
0x27: {  	s1 =	sld [smem:$0x3FAF]  }
0x28: {  	s2 =	sld [smem:$0x3FB0]  }
0x29: {  	s4 =	sld [smem:$0x3FB2]  }
0x2a: {  	p0 =	seq.s32 s5, $0x0;
	s5 =	sld [smem:$0x3FB3]  }
0x2b: {  	s6 =	sld [smem:$0x3FB4]  }
0x2c: {  	s7 =	sld [smem:$0x3FB5]  }
0x2d: {  	s3 =	simm.s32 $0x108;
	s8 =	sld [smem:$0x3FB6]  }
0x2e: {  	s3 =	simm.s32 @!p0 $0x1082;
	s9 =	sld [smem:$0x3FB7]  }
0x2f: {  	lr =	sadd.s32 s0, s3;
	s0 =	sld [smem:$0x3FAE]  }
0x30: {  	s3 =	sld [smem:$0x3FB1]  }
0x31: {  	[smem:$0x3FBA] =	sst s10  }
0x32: {  	s10 =	sld [smem:$0x3FB8];
	_ =	sdelay $0x3  }
0x33: {  	p0 =	seq.s32 s10, $0x1;
	s10 =	sld [smem:$0x3FBA];
	_ =	sdelay $0x3  }
0x34: {  	[smem:$0x3FBA] =	sst s10  }
0x35: {  	s10 =	sld [smem:$0x3FB9];
	_ =	sdelay $0x3  }
0x36: {  	p1 =	seq.s32 s10, $0x1;
	s10 =	sld [smem:$0x3FBA];
	_ =	sdelay $0x3  }
0x37: {  	[smem:$0x3FBA] =	sst s10  }
0x38: {  	s10 =	sld [smem:$0x3FBB]  }
0x39: {  	_ = 	snop;
	(pc) =	sbr.ind lr, $3  }
0x3a: {  	_ = 	snop  }
0x3b: {  	_ = 	snop  }
0x3c: {  	p2 =	seq.s32 s10, $0x1;
	s10 =	sld [smem:$0x3FBA]  }
0x3d: {  	_ =	shalt  }
0x3e: {  	_ =	shalt  }
0x3f: {  	_ =	shalt  }
0x40: {  	_ =	shalt  }
0x41: {  	_ =	shalt  }
0x42: {  	_ =	shalt  }
0x43: {  	_ =	shalt  }
0x44: {  	_ =	shalt  }
0x45: {  	_ =	shalt  }
0x46: {  	_ =	shalt  }
0x47: {  	_ =	shalt  }
0x48: {  	_ =	shalt  }
0x49: {  	_ =	shalt  }
0x4a: {  	_ =	shalt  }
0x4b: {  	_ =	shalt  }
0x4c: {  	_ =	shalt  }
0x4d: {  	_ =	shalt  }
0x4e: {  	_ =	shalt  }
0x4f: {  	_ =	shalt  }
0x50: {  	_ =	shalt  }
0x51: {  	_ =	shalt  }
0x52: {  	_ =	shalt  }
0x53: {  	_ =	shalt  }
0x54: {  	_ =	shalt  }
0x55: {  	_ =	shalt  }
0x56: {  	_ =	shalt  }
0x57: {  	_ =	shalt  }
0x58: {  	_ =	shalt  }
0x59: {  	_ =	shalt  }
0x5a: {  	_ =	shalt  }
0x5b: {  	_ =	shalt  }
0x5c: {  	_ =	shalt  }
0x5d: {  	_ =	shalt  }
0x5e: {  	_ =	shalt  }
0x5f: {  	_ =	shalt  }
0x60: {  	_ =	shalt  }
0x61: {  	_ =	shalt  }
0x62: {  	_ =	shalt  }
0x63: {  	_ =	shalt  }
0x64: {  	_ =	shalt  }
0x65: {  	_ =	shalt  }
0x66: {  	_ =	shalt  }
0x67: {  	_ =	shalt  }
0x68: {  	_ =	shalt  }
0x69: {  	_ =	shalt  }
0x6a: {  	_ =	shalt  }
0x6b: {  	_ =	shalt  }
0x6c: {  	_ =	shalt  }
0x6d: {  	_ =	shalt  }
0x6e: {  	_ =	shalt  }
0x6f: {  	_ =	shalt  }
0x70: {  	_ =	shalt  }
0x71: {  	_ =	shalt  }
0x72: {  	_ =	shalt  }
0x73: {  	_ =	shalt  }
0x74: {  	_ =	shalt  }
0x75: {  	_ =	shalt  }
0x76: {  	_ =	shalt  }
0x77: {  	_ =	shalt  }
0x78: {  	_ =	shalt  }
0x79: {  	_ =	shalt  }
0x7a: {  	_ =	shalt  }
0x7b: {  	_ =	shalt  }
0x7c: {  	_ =	shalt  }
0x7d: {  	_ =	shalt  }
0x7e: {  	_ =	shalt  }
0x7f: {  	_ =	shalt  }
0x80: {  	_ =	shalt  }
0x81: {  	_ =	shalt  }
0x82: {  	_ =	shalt  }
0x83: {  	_ =	shalt  }
0x84: {  	_ =	shalt  }
0x85: {  	_ =	shalt  }
0x86: {  	_ =	shalt  }
0x87: {  	_ =	shalt  }
.Lfunc_end0:
.L_simem_size_0:
called_computation_lowered:
.L_overlay_start_0:
0x88: {  	s2 =	sld [smem:$0x3FD9]  }
0x89: {  	s3 =	sld [smem:$0x3FFE];
	_ =	sdelay $0x1  }
0x8a: {  	s1 =	srdreg.scid  }
0x8b: {  	s0 =	sand.u32 $0x1, s1  }
0x8c: {  	s17 =	sshll.u32 s0, $0xA;
	s2 =	sadd.s32 s3, s2  }
0x8d: {  	s2 =	sadd.s32 s2, s17  }
0x8e: {  	[smem:$0x3FC6] =	sst s2  }
0x8f: {  	_ = 	snop  }
0x90: {  	s2 =	sld [smem:$0x3FC9]  }
0x91: {  	s18 =	sld [smem:$0x3FD0];
	(tm) =	ssettm $0x1  }
0x92: {  	s4 =	sld [smem:$0x3FFB];
	_ =	sdelay $0x3  }
0x93: {  	_ =	strace s4  }
0x94: {  	s4 =	sld [smem:$0x3FFC];
	_ =	sdelay $0x3  }
0x95: {  	_ =	strace s4  }
0x96: {  	s4 =	sld [smem:$0x3FFD];
	_ =	sdelay $0x3  }
0x97: {  	_ =	strace s4  }
0x98: {  	_ =	strace $0x8FFFFFFF  }
0x99: {  	s19 =	sld [smem:$0x3FDB];
	_ =	sdelay $0x1  }
0x9a: {  	s5 =	simm.s32 $_scs_section_size  }
0x9b: {  	s6 =	simm.s32 $_size__tile_overlayer_lowered;
	s7 =	simm.s32 $_tile_overlayer_lowered  }
0x9c: {  	s22 =	simm.s32 $0x1BFF;
	s21 =	sshll.u32 s7, $0x1;
	s4 =	sadd.s32 s5, s19  }
0x9d: {  	s8 =	simm.s32 $0x0;
	s20 =	sshll.u32 s6, $0x1;
	s6 =	sadd.s32 s21, s4  }
0x9e: {  	[timem:s8], [sflag:s22] =	dma.local [hbm:s6], s20  }
0x9f: {  	_ =	swait.ge [sflag:s22], s20  }
0xa0: {  	s5 =	ssub.s32 $0x0, s20;
	[sflag:s22] =	ssyncset.done $0x0  }
0xa1: {  	[sflag:s22] =	ssyncadd.s32 s5;
	_ =	sdelay $0x1  }
0xa2: {  	s23 =	simm.s32 $0x1B8B  }
0xa3: {  	_ =	swait.ge [sflag:s23], $0x1  }
0xa4: {  	[sflag:s23] =	ssyncset.done $0x0  }
0xa5: {  	s25 =	simm.s32 $0x1B8E;
	s24 =	sld [smem:$0x3FFE];
	[sflag:s23] =	ssyncadd.s32 $0xFFFFFFFF  }
0xa6: {  	s26 =	simm.s32 $execute0_lowered;
	[smem:$0x3FD2] =	sst s25  }
0xa7: {  	s6 =	sshll.u32 s26, $0x1;
	_ =	strace $0x80000046;
	[dreg:$0x1] =	wrdreg $0xFFFFFFFF  }
0xa8: {  	s28 =	simm.s32 $_size_execute0_lowered;
	s4 =	sadd.s32 s4, s6;
	[dreg:$0x0] =	wrdreg $0x0  }
0xa9: {  	s6 =	sshll.u32 s28, $0x1;
	[dreg:$0x2] =	wrdreg s4  }
0xaa: {  	[dreg:$0x3] =	wrdreg s6  }
0xab: {  	[dreg:$0x4] =	wrdreg $0xC0  }
0xac: {  	_ =	task [dreg:s8], $0x5FFFF  }
0xad: {  	[dreg:$0x1] =	wrdreg $0xFFFFFFFF  }
0xae: {  	[dreg:$0x0] =	wrdreg $0x60  }
0xaf: {  	[dreg:$0x2] =	wrdreg s2  }
0xb0: {  	[dreg:$0x3] =	wrdreg s24  }
0xb1: {  	[dreg:$0x4] =	wrdreg s18  }
0xb2: {  	[dreg:$0x5] =	wrdreg $0x9  }
0xb3: {  	_ =	task.clear_ibuf [dreg:s8], $0x6FFFF;
	_ =	strace $0x90000046  }
0xb4: {  	s29 =	simm.s32 $0x9;
	_ =	strace $0x80000048  }
0xb5: {  	_ =	swait.ge [sflag:s29], $0x1  }
0xb6: {  	[sflag:s29] =	ssyncadd.s32 $0xFFFFFFFF  }
0xb7: {  	_ =	strace $0x90000048  }
0xb8: {  	_ =	sfence  }
0xb9: {  	s30 =	sld [smem:$0x0];
	_ =	sdelay $0x2  }
0xba: {  	s31 =	sshll.u32 s1, $0xD;
	s1 =	sshrl.u32 s1, $0x2  }
0xbb: {  	s3 =	sand.u32 $0x4000, s31;
	s1 =	sadd.s32 s1, s30  }
0xbc: {  	s0 =	sor.u32 s3, s0;
	s1 =	sshll.u32 s1, $0x11  }
0xbd: {  	s0 =	sor.u32 s1, s0  }
0xbe: {  	s0 =	sadd.s32 $0x8F2B, s0  }
0xbf: {  	[sflag:s0] =	ssyncadd.remote.s32 $0x1  }
0xc0: {  	_ =	sfence.sel $0xFFFF  }
0xc1: {  	[dreg:$0x0] =	wrdreg $0xFFFFFFFF;
	(pc) =	sbr.abs _section_cstart, $3  }
0xc2: {  	[dreg:$0x1] =	wrdreg $0xFFFFFFFF  }
0xc3: {  	_ =	task.clear_ibuf [dreg:s8], $0x2FFFF;
	_ =	strace $0x9FFFFFFF  }
0xc4: {  	(tm) =	ssettm $0x7FFFFFFF  }
0xc5: {  	_ =	shalt  }
tec
execute0_lowered:
.L_overlay_start_1:
0x0: {  	(tag) =	ssettag $0x1  }
0x1: {  	s2 =	rddreg [dreg:$0x0]  }
0x2: {  	s0 =	srdreg.scid;
	s4 =	rddreg [dreg:$0x1]  }
0x3: {  	s1 =	stileid.u32;
	s5 =	rddreg [dreg:$0x2]  }
0x4: {  	s7 =	simm.s32 $0x4;
	s9 =	simm.s32 $0x2;
	s10 =	simm.s32 $0x3  }
0x5: {  	s8 =	simm.s32 $0x800;
	s0 =	sand.u32 $0x1, s0;
	s1 =	sshll.u32 s1, $0x1  }
0x6: {  	s12 =	simm.s32 $0x1000;
	s13 =	simm.s32 $0x1400;
	s1 =	sor.u32 s0, s1  }
0x7: {  	s14 =	simm.s32 $0x1C00;
	s15 =	simm.s32 $0x2000;
	s3 =	smul.u32 $0x360, s1  }
0x8: {  	s16 =	simm.s32 $0x2800;
	s17 =	simm.s32 $0x2C00;
	s28 =	simm.s32 $0x6800  }
0x9: {  	s29 =	simm.s32 $0x7000;
	s30 =	simm.s32 $0x7400;
	s6 =	sshrl.u32 s3, $0x3  }
0xa: {  	s1 =	sshll.u32 s1, $0x8;
	s3 =	simm.s32 $0x0;
	s6 =	smul.u32 $0x180, s6  }
0xb: {  	s31 =	simm.s32 $0x7C00;
	s1 =	sadd.s32 s4, s1;
	[smem:$0x7FF] =	sst s3  }
0xc: {  	_ =	strace $0x80000047;
	[dreg:$0x4] =	wrdreg s1;
	s6 =	sadd.s32 s5, s6  }
0xd: {  	s0 =	ssub.s32 $0x2, s0;
	s18 =	sadd.s32 $0x1200, s6;
	[dreg:$0xd] =	wrdreg s6  }
0xe: {  	s23 =	sshrl.u32 s0, $0x1;
	s19 =	sadd.s32 $0x2400, s6;
	[dreg:$0x5] =	wrdreg s18  }
0xf: {  	s0 =	ssub.s32 s0, s23;
	s20 =	sadd.s32 $0x3600, s6;
	[dreg:$0x6] =	wrdreg s19  }
0x10: {  	s4 =	simm.s32 $0x1;
	s21 =	sadd.s32 $0x4800, s6;
	[dreg:$0x7] =	wrdreg s20  }
0x11: {  	s23 =	simm.s32 $0x5000;
	s22 =	sadd.s32 $0x5A00, s6;
	[dreg:$0x8] =	wrdreg s21  }
0x12: {  	s1 =	simm.s32 $0x9800;
	s24 =	sadd.s32 $0x6C00, s6;
	[dreg:$0x9] =	wrdreg s22  }
0x13: {  	s5 =	sadd.s32 $0x100, s2;
	s25 =	sadd.s32 $0x7E00, s6;
	[dreg:$0xa] =	wrdreg s24  }
0x14: {  	s26 =	sadd.s32 $0x9000, s6;
	s6 =	smax.u32 s0, $0x1;
	[dreg:$0xb] =	wrdreg s25  }
0x15: {  	v2 =	vlaneseq.u32;
	[dreg:$0xc] =	wrdreg s26;
	s18 =	simm.s32 $0x3400;
	s19 =	simm.s32 $0x3800  }
0x16: {  	vm0 =	vmmov $0xffff;
	vm1 =	vmmov $0xff;
	v1 =	vshrl.u32 v2, $0x3;
	s20 =	simm.s32 $0x4000;
	s21 =	simm.s32 $0x4400;
	s22 =	simm.s32 $0x4C00  }
0x17: {  	v0 =	vand.u32 $0x7, v2;
	v2 =	vor.u32 $0x8, v2;
	v1 =	vmul.u32 $0x8, v1;
	s24 =	simm.s32 $0x5800;
	s25 =	simm.s32 $0x5C00;
	s26 =	simm.s32 $0x6400  }
.LBB2_1:
0x18: {  	s11 =	rddreg [dreg:$0x4]  }
0x19: {  	[tilespmem:s3], [sflag:$0x4] =	stream.linear.gather [hbm4b:s11+s3], $0x480, $0x38;
	[tilespmem:$0x1B800] =	vst v63  }
0x1a: {  	_ =	swait.ge [sflag:s7], $0x480  }
0x1b: {  	[sflag:s7] =	ssyncset.done $0x0  }
0x1c: {  	[sflag:s7] =	ssyncadd.s32 $0xFFFFFB80  }
0x1d: {  	v3 =	vld [tilespmem:$0x0];
	_ =	sdelay $0x4  }
0x1e: {  	v4 =	vshrl.u32 v3, $0x3  }
0x1f: {  	v4 =	vmul.u32 $0x18, v4  }
0x20: {  	v3 =	vand.u32 $0x7, v3  }
0x21: {  	v3 =	vor.u32 v3, v4  }
0x22: {  	v4 =	vperm.xlane v3, v0;
	_ =	sdelay $0x1  }
0x23: {  	v4 =	vadd.s32 v1, v4;
	_ =	sdelay $0x1  }
0x24: {  	v3 =	vperm.xlane v3, v2;
	_ =	sdelay $0x1  }
0x25: {  	v3 =	vadd.s32 v1, v3  }
0x26: {  	[tilespmem:s8], [sflag:$0x1] =	stream.indirect_vreg.gather [hbm4b:s2+s3], $0x80, v4, vm0, $0xb8;
	[tilespmem:$0x1B800] =	vst v63  }
0x27: {  	_ = 	snop  }
0x28: {  	[tilespmem:s12], [sflag:$0x1] =	stream.indirect_vreg.gather [hbm4b:s5+s3], $0x80, v4, vm1, $0xb8;
	[tilespmem:$0x1B800] =	vst v63  }
0x29: {  	_ = 	snop  }
0x2a: {  	[tilespmem:s13], [sflag:$0x1] =	stream.indirect_vreg.gather [hbm4b:s2+s3], $0x80, v3, vm0, $0xb8;
	[tilespmem:$0x1B800] =	vst v63  }
0x2b: {  	_ = 	snop  }
0x2c: {  	[tilespmem:s14], [sflag:$0x1] =	stream.indirect_vreg.gather [hbm4b:s5+s3], $0x80, v3, vm1, $0xb8;
	[tilespmem:$0x1B800] =	vst v63  }
0x2d: {  	v3 =	vld [tilespmem:$0x10];
	_ =	sdelay $0x4  }
0x2e: {  	v11 =	vshrl.u32 v3, $0x3  }
0x2f: {  	v4 =	vmul.u32 $0x18, v11  }
0x30: {  	v3 =	vand.u32 $0x7, v3  }
0x31: {  	v3 =	vor.u32 v3, v4  }
0x32: {  	v4 =	vperm.xlane v3, v0;
	_ =	sdelay $0x1  }
0x33: {  	v4 =	vadd.s32 v1, v4;
	_ =	sdelay $0x1  }
0x34: {  	v3 =	vperm.xlane v3, v2;
	_ =	sdelay $0x1  }
0x35: {  	v3 =	vadd.s32 v1, v3  }
0x36: {  	[tilespmem:s15], [sflag:$0x1] =	stream.indirect_vreg.gather [hbm4b:s2+s3], $0x80, v4, vm0, $0xb8;
	[tilespmem:$0x1B800] =	vst v63  }
0x37: {  	_ = 	snop  }
0x38: {  	[tilespmem:s16], [sflag:$0x1] =	stream.indirect_vreg.gather [hbm4b:s5+s3], $0x80, v4, vm1, $0xb8;
	[tilespmem:$0x1B800] =	vst v63  }
0x39: {  	_ = 	snop  }
0x3a: {  	[tilespmem:s17], [sflag:$0x1] =	stream.indirect_vreg.gather [hbm4b:s2+s3], $0x80, v3, vm0, $0xb8;
	[tilespmem:$0x1B800] =	vst v63  }
0x3b: {  	_ = 	snop  }
0x3c: {  	[tilespmem:s18], [sflag:$0x1] =	stream.indirect_vreg.gather [hbm4b:s5+s3], $0x80, v3, vm1, $0xb8;
	[tilespmem:$0x1B800] =	vst v63  }
0x3d: {  	v3 =	vld [tilespmem:$0x20];
	_ =	sdelay $0x4  }
0x3e: {  	v12 =	vshrl.u32 v3, $0x3  }
0x3f: {  	v4 =	vmul.u32 $0x18, v12  }
0x40: {  	v3 =	vand.u32 $0x7, v3  }
0x41: {  	v3 =	vor.u32 v3, v4  }
0x42: {  	v4 =	vperm.xlane v3, v0;
	_ =	sdelay $0x1  }
0x43: {  	v4 =	vadd.s32 v1, v4;
	_ =	sdelay $0x1  }
0x44: {  	v3 =	vperm.xlane v3, v2;
	_ =	sdelay $0x1  }
0x45: {  	v3 =	vadd.s32 v1, v3  }
0x46: {  	[tilespmem:s19], [sflag:$0x1] =	stream.indirect_vreg.gather [hbm4b:s2+s3], $0x80, v4, vm0, $0xb8;
	[tilespmem:$0x1B800] =	vst v63  }
0x47: {  	_ = 	snop  }
0x48: {  	[tilespmem:s20], [sflag:$0x1] =	stream.indirect_vreg.gather [hbm4b:s5+s3], $0x80, v4, vm1, $0xb8;
	[tilespmem:$0x1B800] =	vst v63  }
0x49: {  	_ = 	snop  }
0x4a: {  	[tilespmem:s21], [sflag:$0x1] =	stream.indirect_vreg.gather [hbm4b:s2+s3], $0x80, v3, vm0, $0xb8;
	[tilespmem:$0x1B800] =	vst v63  }
0x4b: {  	_ = 	snop  }
0x4c: {  	[tilespmem:s22], [sflag:$0x1] =	stream.indirect_vreg.gather [hbm4b:s5+s3], $0x80, v3, vm1, $0xb8;
	[tilespmem:$0x1B800] =	vst v63  }
0x4d: {  	v3 =	vld [tilespmem:$0x30];
	_ =	sdelay $0x4  }
0x4e: {  	v13 =	vshrl.u32 v3, $0x3  }
0x4f: {  	v4 =	vmul.u32 $0x18, v13  }
0x50: {  	v3 =	vand.u32 $0x7, v3  }
0x51: {  	v3 =	vor.u32 v3, v4  }
0x52: {  	v4 =	vperm.xlane v3, v0;
	_ =	sdelay $0x1  }
0x53: {  	v4 =	vadd.s32 v1, v4;
	_ =	sdelay $0x1  }
0x54: {  	v3 =	vperm.xlane v3, v2;
	_ =	sdelay $0x1  }
0x55: {  	v3 =	vadd.s32 v1, v3  }
0x56: {  	[tilespmem:s23], [sflag:$0x1] =	stream.indirect_vreg.gather [hbm4b:s2+s3], $0x80, v4, vm0, $0xb8;
	[tilespmem:$0x1B800] =	vst v63  }
0x57: {  	_ = 	snop  }
0x58: {  	[tilespmem:s24], [sflag:$0x1] =	stream.indirect_vreg.gather [hbm4b:s5+s3], $0x80, v4, vm1, $0xb8;
	[tilespmem:$0x1B800] =	vst v63  }
0x59: {  	_ = 	snop  }
0x5a: {  	[tilespmem:s25], [sflag:$0x1] =	stream.indirect_vreg.gather [hbm4b:s2+s3], $0x80, v3, vm0, $0xb8;
	[tilespmem:$0x1B800] =	vst v63  }
0x5b: {  	_ = 	snop  }
0x5c: {  	[tilespmem:s26], [sflag:$0x1] =	stream.indirect_vreg.gather [hbm4b:s5+s3], $0x80, v3, vm1, $0xb8;
	[tilespmem:$0x1B800] =	vst v63  }
0x5d: {  	v3 =	vld [tilespmem:$0x40];
	_ =	sdelay $0x4  }
0x5e: {  	v14 =	vshrl.u32 v3, $0x3  }
0x5f: {  	v4 =	vmul.u32 $0x18, v14  }
0x60: {  	v3 =	vand.u32 $0x7, v3  }
0x61: {  	v3 =	vor.u32 v3, v4  }
0x62: {  	v4 =	vperm.xlane v3, v0;
	_ =	sdelay $0x1  }
0x63: {  	v4 =	vadd.s32 v1, v4;
	_ =	sdelay $0x1  }
0x64: {  	v3 =	vperm.xlane v3, v2;
	_ =	sdelay $0x1  }
0x65: {  	v3 =	vadd.s32 v1, v3  }
0x66: {  	[tilespmem:s28], [sflag:$0x1] =	stream.indirect_vreg.gather [hbm4b:s2+s3], $0x80, v4, vm0, $0xb8;
	[tilespmem:$0x1B800] =	vst v63  }
0x67: {  	_ = 	snop  }
0x68: {  	[tilespmem:s29], [sflag:$0x1] =	stream.indirect_vreg.gather [hbm4b:s5+s3], $0x80, v4, vm1, $0xb8;
	[tilespmem:$0x1B800] =	vst v63  }
0x69: {  	_ = 	snop  }
0x6a: {  	[tilespmem:s30], [sflag:$0x1] =	stream.indirect_vreg.gather [hbm4b:s2+s3], $0x80, v3, vm0, $0xb8;
	[tilespmem:$0x1B800] =	vst v63  }
0x6b: {  	_ = 	snop  }
0x6c: {  	[tilespmem:s31], [sflag:$0x1] =	stream.indirect_vreg.gather [hbm4b:s5+s3], $0x80, v3, vm1, $0xb8;
	[tilespmem:$0x1B800] =	vst v63  }
0x6d: {  	v3 =	vld [tilespmem:$0x50];
	_ =	sdelay $0x4  }
0x6e: {  	v15 =	vshrl.u32 v3, $0x3  }
0x6f: {  	v4 =	vmul.u32 $0x18, v15  }
0x70: {  	v3 =	vand.u32 $0x7, v3  }
0x71: {  	v3 =	vor.u32 v3, v4  }
0x72: {  	v4 =	vperm.xlane v3, v0;
	_ =	sdelay $0x1  }
0x73: {  	v4 =	vadd.s32 v1, v4;
	_ =	sdelay $0x1  }
0x74: {  	v3 =	vperm.xlane v3, v2;
	_ =	sdelay $0x1  }
0x75: {  	s0 =	simm.s32 $0x8000;
	v3 =	vadd.s32 v1, v3  }
0x76: {  	[tilespmem:s0], [sflag:$0x1] =	stream.indirect_vreg.gather [hbm4b:s2+s3], $0x80, v4, vm0, $0xb8;
	[tilespmem:$0x1B800] =	vst v63  }
0x77: {  	s11 =	simm.s32 $0x8800  }
0x78: {  	[tilespmem:s11], [sflag:$0x1] =	stream.indirect_vreg.gather [hbm4b:s5+s3], $0x80, v4, vm1, $0xb8;
	[tilespmem:$0x1B800] =	vst v63  }
0x79: {  	s11 =	simm.s32 $0x8C00  }
0x7a: {  	[tilespmem:s11], [sflag:$0x1] =	stream.indirect_vreg.gather [hbm4b:s2+s3], $0x80, v3, vm0, $0xb8;
	[tilespmem:$0x1B800] =	vst v63  }
0x7b: {  	s11 =	simm.s32 $0x9400  }
0x7c: {  	[tilespmem:s11], [sflag:$0x1] =	stream.indirect_vreg.gather [hbm4b:s5+s3], $0x80, v3, vm1, $0xb8;
	[tilespmem:$0x1B800] =	vst v63  }
0x7d: {  	v3 =	vld [tilespmem:$0x80];
	_ =	sdelay $0x4  }
0x7e: {  	v16 =	vshrl.u32 v3, $0x3  }
0x7f: {  	v4 =	vmul.u32 $0x18, v16  }
0x80: {  	v3 =	vand.u32 $0x7, v3  }
0x81: {  	v3 =	vor.u32 v3, v4  }
0x82: {  	v4 =	vperm.xlane v3, v0;
	_ =	sdelay $0x1  }
0x83: {  	v4 =	vadd.s32 v1, v4;
	_ =	sdelay $0x1  }
0x84: {  	v3 =	vperm.xlane v3, v2;
	_ =	sdelay $0x1  }
0x85: {  	v3 =	vadd.s32 v1, v3  }
0x86: {  	[tilespmem:s1], [sflag:$0x2] =	stream.indirect_vreg.gather [hbm4b:s2+s3], $0x80, v4, vm0, $0xb8;
	[tilespmem:$0x1B800] =	vst v63  }
0x87: {  	s11 =	simm.s32 $0xA000  }
0x88: {  	[tilespmem:s11], [sflag:$0x2] =	stream.indirect_vreg.gather [hbm4b:s5+s3], $0x80, v4, vm1, $0xb8;
	[tilespmem:$0x1B800] =	vst v63  }
0x89: {  	s11 =	simm.s32 $0xA400  }
0x8a: {  	[tilespmem:s11], [sflag:$0x2] =	stream.indirect_vreg.gather [hbm4b:s2+s3], $0x80, v3, vm0, $0xb8;
	[tilespmem:$0x1B800] =	vst v63  }
0x8b: {  	s11 =	simm.s32 $0xAC00  }
0x8c: {  	[tilespmem:s11], [sflag:$0x2] =	stream.indirect_vreg.gather [hbm4b:s5+s3], $0x80, v3, vm1, $0xb8;
	[tilespmem:$0x1B800] =	vst v63  }
0x8d: {  	v3 =	vld [tilespmem:$0x90];
	_ =	sdelay $0x4  }
0x8e: {  	v17 =	vshrl.u32 v3, $0x3  }
0x8f: {  	v4 =	vmul.u32 $0x18, v17  }
0x90: {  	v3 =	vand.u32 $0x7, v3  }
0x91: {  	v3 =	vor.u32 v3, v4  }
0x92: {  	v4 =	vperm.xlane v3, v0;
	_ =	sdelay $0x1  }
0x93: {  	v4 =	vadd.s32 v1, v4;
	_ =	sdelay $0x1  }
0x94: {  	v3 =	vperm.xlane v3, v2;
	_ =	sdelay $0x1  }
0x95: {  	s11 =	simm.s32 $0xB000;
	v3 =	vadd.s32 v1, v3  }
0x96: {  	[tilespmem:s11], [sflag:$0x2] =	stream.indirect_vreg.gather [hbm4b:s2+s3], $0x80, v4, vm0, $0xb8;
	[tilespmem:$0x1B800] =	vst v63  }
0x97: {  	s11 =	simm.s32 $0xB800  }
0x98: {  	[tilespmem:s11], [sflag:$0x2] =	stream.indirect_vreg.gather [hbm4b:s5+s3], $0x80, v4, vm1, $0xb8;
	[tilespmem:$0x1B800] =	vst v63  }
0x99: {  	s11 =	simm.s32 $0xBC00  }
0x9a: {  	[tilespmem:s11], [sflag:$0x2] =	stream.indirect_vreg.gather [hbm4b:s2+s3], $0x80, v3, vm0, $0xb8;
	[tilespmem:$0x1B800] =	vst v63  }
0x9b: {  	s11 =	simm.s32 $0xC400  }
0x9c: {  	[tilespmem:s11], [sflag:$0x2] =	stream.indirect_vreg.gather [hbm4b:s5+s3], $0x80, v3, vm1, $0xb8;
	[tilespmem:$0x1B800] =	vst v63  }
0x9d: {  	v3 =	vld [tilespmem:$0xA0];
	_ =	sdelay $0x4  }
0x9e: {  	v18 =	vshrl.u32 v3, $0x3  }
0x9f: {  	v4 =	vmul.u32 $0x18, v18  }
0xa0: {  	v3 =	vand.u32 $0x7, v3  }
0xa1: {  	v3 =	vor.u32 v3, v4  }
0xa2: {  	v4 =	vperm.xlane v3, v0;
	_ =	sdelay $0x1  }
0xa3: {  	v4 =	vadd.s32 v1, v4;
	_ =	sdelay $0x1  }
0xa4: {  	v3 =	vperm.xlane v3, v2;
	_ =	sdelay $0x1  }
0xa5: {  	s11 =	simm.s32 $0xC800;
	v3 =	vadd.s32 v1, v3  }
0xa6: {  	[tilespmem:s11], [sflag:$0x2] =	stream.indirect_vreg.gather [hbm4b:s2+s3], $0x80, v4, vm0, $0xb8;
	[tilespmem:$0x1B800] =	vst v63  }
0xa7: {  	s11 =	simm.s32 $0xD000  }
0xa8: {  	[tilespmem:s11], [sflag:$0x2] =	stream.indirect_vreg.gather [hbm4b:s5+s3], $0x80, v4, vm1, $0xb8;
	[tilespmem:$0x1B800] =	vst v63  }
0xa9: {  	s11 =	simm.s32 $0xD400  }
0xaa: {  	[tilespmem:s11], [sflag:$0x2] =	stream.indirect_vreg.gather [hbm4b:s2+s3], $0x80, v3, vm0, $0xb8;
	[tilespmem:$0x1B800] =	vst v63  }
0xab: {  	s11 =	simm.s32 $0xDC00  }
0xac: {  	[tilespmem:s11], [sflag:$0x2] =	stream.indirect_vreg.gather [hbm4b:s5+s3], $0x80, v3, vm1, $0xb8;
	[tilespmem:$0x1B800] =	vst v63  }
0xad: {  	v3 =	vld [tilespmem:$0xB0];
	_ =	sdelay $0x4  }
0xae: {  	v19 =	vshrl.u32 v3, $0x3  }
0xaf: {  	v4 =	vmul.u32 $0x18, v19  }
0xb0: {  	v3 =	vand.u32 $0x7, v3  }
0xb1: {  	v3 =	vor.u32 v3, v4  }
0xb2: {  	v4 =	vperm.xlane v3, v0;
	_ =	sdelay $0x1  }
0xb3: {  	v4 =	vadd.s32 v1, v4;
	_ =	sdelay $0x1  }
0xb4: {  	v3 =	vperm.xlane v3, v2;
	_ =	sdelay $0x1  }
0xb5: {  	s11 =	simm.s32 $0xE000;
	v3 =	vadd.s32 v1, v3  }
0xb6: {  	[tilespmem:s11], [sflag:$0x2] =	stream.indirect_vreg.gather [hbm4b:s2+s3], $0x80, v4, vm0, $0xb8;
	[tilespmem:$0x1B800] =	vst v63  }
0xb7: {  	s11 =	simm.s32 $0xE800  }
0xb8: {  	[tilespmem:s11], [sflag:$0x2] =	stream.indirect_vreg.gather [hbm4b:s5+s3], $0x80, v4, vm1, $0xb8;
	[tilespmem:$0x1B800] =	vst v63  }
0xb9: {  	s11 =	simm.s32 $0xEC00  }
0xba: {  	[tilespmem:s11], [sflag:$0x2] =	stream.indirect_vreg.gather [hbm4b:s2+s3], $0x80, v3, vm0, $0xb8;
	[tilespmem:$0x1B800] =	vst v63  }
0xbb: {  	s11 =	simm.s32 $0xF400  }
0xbc: {  	[tilespmem:s11], [sflag:$0x2] =	stream.indirect_vreg.gather [hbm4b:s5+s3], $0x80, v3, vm1, $0xb8;
	[tilespmem:$0x1B800] =	vst v63  }
0xbd: {  	v3 =	vld [tilespmem:$0xC0];
	_ =	sdelay $0x4  }
0xbe: {  	v20 =	vshrl.u32 v3, $0x3  }
0xbf: {  	v4 =	vmul.u32 $0x18, v20  }
0xc0: {  	v3 =	vand.u32 $0x7, v3  }
0xc1: {  	v3 =	vor.u32 v3, v4  }
0xc2: {  	v4 =	vperm.xlane v3, v0;
	_ =	sdelay $0x1  }
0xc3: {  	v4 =	vadd.s32 v1, v4;
	_ =	sdelay $0x1  }
0xc4: {  	v3 =	vperm.xlane v3, v2;
	_ =	sdelay $0x1  }
0xc5: {  	s11 =	simm.s32 $0xF800;
	v3 =	vadd.s32 v1, v3  }
0xc6: {  	[tilespmem:s11], [sflag:$0x2] =	stream.indirect_vreg.gather [hbm4b:s2+s3], $0x80, v4, vm0, $0xb8;
	[tilespmem:$0x1B800] =	vst v63  }
0xc7: {  	s11 =	simm.s32 $0x10000  }
0xc8: {  	[tilespmem:s11], [sflag:$0x2] =	stream.indirect_vreg.gather [hbm4b:s5+s3], $0x80, v4, vm1, $0xb8;
	[tilespmem:$0x1B800] =	vst v63  }
0xc9: {  	s11 =	simm.s32 $0x10400  }
0xca: {  	[tilespmem:s11], [sflag:$0x2] =	stream.indirect_vreg.gather [hbm4b:s2+s3], $0x80, v3, vm0, $0xb8;
	[tilespmem:$0x1B800] =	vst v63  }
0xcb: {  	s11 =	simm.s32 $0x10C00  }
0xcc: {  	[tilespmem:s11], [sflag:$0x2] =	stream.indirect_vreg.gather [hbm4b:s5+s3], $0x80, v3, vm1, $0xb8;
	[tilespmem:$0x1B800] =	vst v63  }
0xcd: {  	v3 =	vld [tilespmem:$0xD0];
	_ =	sdelay $0x4  }
0xce: {  	v21 =	vshrl.u32 v3, $0x3  }
0xcf: {  	v4 =	vmul.u32 $0x18, v21  }
0xd0: {  	v3 =	vand.u32 $0x7, v3  }
0xd1: {  	v3 =	vor.u32 v3, v4  }
0xd2: {  	v4 =	vperm.xlane v3, v0;
	_ =	sdelay $0x1  }
0xd3: {  	v4 =	vadd.s32 v1, v4;
	_ =	sdelay $0x1  }
0xd4: {  	v3 =	vperm.xlane v3, v2;
	_ =	sdelay $0x1  }
0xd5: {  	s11 =	simm.s32 $0x11000;
	v3 =	vadd.s32 v1, v3  }
0xd6: {  	[tilespmem:s11], [sflag:$0x2] =	stream.indirect_vreg.gather [hbm4b:s2+s3], $0x80, v4, vm0, $0xb8;
	[tilespmem:$0x1B800] =	vst v63  }
0xd7: {  	s11 =	simm.s32 $0x11800  }
0xd8: {  	[tilespmem:s11], [sflag:$0x2] =	stream.indirect_vreg.gather [hbm4b:s5+s3], $0x80, v4, vm1, $0xb8;
	[tilespmem:$0x1B800] =	vst v63  }
0xd9: {  	s11 =	simm.s32 $0x11C00  }
0xda: {  	[tilespmem:s11], [sflag:$0x2] =	stream.indirect_vreg.gather [hbm4b:s2+s3], $0x80, v3, vm0, $0xb8;
	[tilespmem:$0x1B800] =	vst v63  }
0xdb: {  	s11 =	simm.s32 $0x12400  }
0xdc: {  	[tilespmem:s11], [sflag:$0x2] =	stream.indirect_vreg.gather [hbm4b:s5+s3], $0x80, v3, vm1, $0xb8;
	[tilespmem:$0x1B800] =	vst v63  }
0xdd: {  	v3 =	vld [tilespmem:$0x100];
	_ =	sdelay $0x4  }
0xde: {  	v22 =	vshrl.u32 v3, $0x3  }
0xdf: {  	v4 =	vmul.u32 $0x18, v22  }
0xe0: {  	v3 =	vand.u32 $0x7, v3  }
0xe1: {  	v3 =	vor.u32 v3, v4  }
0xe2: {  	v4 =	vperm.xlane v3, v0;
	_ =	sdelay $0x1  }
0xe3: {  	v4 =	vadd.s32 v1, v4;
	_ =	sdelay $0x1  }
0xe4: {  	v3 =	vperm.xlane v3, v2;
	_ =	sdelay $0x1  }
0xe5: {  	s0 =	simm.s32 $0x12800;
	v3 =	vadd.s32 v1, v3  }
0xe6: {  	[tilespmem:s0], [sflag:$0x3] =	stream.indirect_vreg.gather [hbm4b:s2+s3], $0x80, v4, vm0, $0xb8;
	[tilespmem:$0x1B800] =	vst v63  }
0xe7: {  	s11 =	simm.s32 $0x13000  }
0xe8: {  	[tilespmem:s11], [sflag:$0x3] =	stream.indirect_vreg.gather [hbm4b:s5+s3], $0x80, v4, vm1, $0xb8;
	[tilespmem:$0x1B800] =	vst v63  }
0xe9: {  	s11 =	simm.s32 $0x13400  }
0xea: {  	[tilespmem:s11], [sflag:$0x3] =	stream.indirect_vreg.gather [hbm4b:s2+s3], $0x80, v3, vm0, $0xb8;
	[tilespmem:$0x1B800] =	vst v63  }
0xeb: {  	s11 =	simm.s32 $0x13C00  }
0xec: {  	[tilespmem:s11], [sflag:$0x3] =	stream.indirect_vreg.gather [hbm4b:s5+s3], $0x80, v3, vm1, $0xb8;
	[tilespmem:$0x1B800] =	vst v63  }
0xed: {  	v3 =	vld [tilespmem:$0x110];
	_ =	sdelay $0x4  }
0xee: {  	v23 =	vshrl.u32 v3, $0x3  }
0xef: {  	v4 =	vmul.u32 $0x18, v23  }
0xf0: {  	v3 =	vand.u32 $0x7, v3  }
0xf1: {  	v3 =	vor.u32 v3, v4  }
0xf2: {  	v4 =	vperm.xlane v3, v0;
	_ =	sdelay $0x1  }
0xf3: {  	v4 =	vadd.s32 v1, v4;
	_ =	sdelay $0x1  }
0xf4: {  	v3 =	vperm.xlane v3, v2;
	_ =	sdelay $0x1  }
0xf5: {  	s11 =	simm.s32 $0x14000;
	v3 =	vadd.s32 v1, v3  }
0xf6: {  	[tilespmem:s11], [sflag:$0x3] =	stream.indirect_vreg.gather [hbm4b:s2+s3], $0x80, v4, vm0, $0xb8;
	[tilespmem:$0x1B800] =	vst v63  }
0xf7: {  	s11 =	simm.s32 $0x14800  }
0xf8: {  	[tilespmem:s11], [sflag:$0x3] =	stream.indirect_vreg.gather [hbm4b:s5+s3], $0x80, v4, vm1, $0xb8;
	[tilespmem:$0x1B800] =	vst v63  }
0xf9: {  	s11 =	simm.s32 $0x14C00  }
0xfa: {  	[tilespmem:s11], [sflag:$0x3] =	stream.indirect_vreg.gather [hbm4b:s2+s3], $0x80, v3, vm0, $0xb8;
	[tilespmem:$0x1B800] =	vst v63  }
0xfb: {  	s11 =	simm.s32 $0x15400  }
0xfc: {  	[tilespmem:s11], [sflag:$0x3] =	stream.indirect_vreg.gather [hbm4b:s5+s3], $0x80, v3, vm1, $0xb8;
	[tilespmem:$0x1B800] =	vst v63  }
0xfd: {  	v3 =	vld [tilespmem:$0x120];
	_ =	sdelay $0x4  }
0xfe: {  	v24 =	vshrl.u32 v3, $0x3  }
0xff: {  	v4 =	vmul.u32 $0x18, v24  }
0x100: {  	v3 =	vand.u32 $0x7, v3  }
0x101: {  	v3 =	vor.u32 v3, v4  }
0x102: {  	v4 =	vperm.xlane v3, v0;
	_ =	sdelay $0x1  }
0x103: {  	v4 =	vadd.s32 v1, v4;
	_ =	sdelay $0x1  }
0x104: {  	v3 =	vperm.xlane v3, v2;
	_ =	sdelay $0x1  }
0x105: {  	s11 =	simm.s32 $0x15800;
	v3 =	vadd.s32 v1, v3  }
0x106: {  	[tilespmem:s11], [sflag:$0x3] =	stream.indirect_vreg.gather [hbm4b:s2+s3], $0x80, v4, vm0, $0xb8;
	[tilespmem:$0x1B800] =	vst v63  }
0x107: {  	s11 =	simm.s32 $0x16000  }
0x108: {  	[tilespmem:s11], [sflag:$0x3] =	stream.indirect_vreg.gather [hbm4b:s5+s3], $0x80, v4, vm1, $0xb8;
	[tilespmem:$0x1B800] =	vst v63  }
0x109: {  	s11 =	simm.s32 $0x16400  }
0x10a: {  	[tilespmem:s11], [sflag:$0x3] =	stream.indirect_vreg.gather [hbm4b:s2+s3], $0x80, v3, vm0, $0xb8;
	[tilespmem:$0x1B800] =	vst v63  }
0x10b: {  	s11 =	simm.s32 $0x16C00  }
0x10c: {  	[tilespmem:s11], [sflag:$0x3] =	stream.indirect_vreg.gather [hbm4b:s5+s3], $0x80, v3, vm1, $0xb8;
	[tilespmem:$0x1B800] =	vst v63  }
0x10d: {  	v3 =	vld [tilespmem:$0x130];
	_ =	sdelay $0x4  }
0x10e: {  	v25 =	vshrl.u32 v3, $0x3  }
0x10f: {  	v4 =	vmul.u32 $0x18, v25  }
0x110: {  	v3 =	vand.u32 $0x7, v3  }
0x111: {  	v3 =	vor.u32 v3, v4  }
0x112: {  	v4 =	vperm.xlane v3, v0;
	_ =	sdelay $0x1  }
0x113: {  	v4 =	vadd.s32 v1, v4;
	_ =	sdelay $0x1  }
0x114: {  	v3 =	vperm.xlane v3, v2;
	_ =	sdelay $0x1  }
0x115: {  	s11 =	simm.s32 $0x17000;
	v3 =	vadd.s32 v1, v3  }
0x116: {  	[tilespmem:s11], [sflag:$0x3] =	stream.indirect_vreg.gather [hbm4b:s2+s3], $0x80, v4, vm0, $0xb8;
	[tilespmem:$0x1B800] =	vst v63  }
0x117: {  	s11 =	simm.s32 $0x17800  }
0x118: {  	[tilespmem:s11], [sflag:$0x3] =	stream.indirect_vreg.gather [hbm4b:s5+s3], $0x80, v4, vm1, $0xb8;
	[tilespmem:$0x1B800] =	vst v63  }
0x119: {  	s11 =	simm.s32 $0x17C00  }
0x11a: {  	[tilespmem:s11], [sflag:$0x3] =	stream.indirect_vreg.gather [hbm4b:s2+s3], $0x80, v3, vm0, $0xb8;
	[tilespmem:$0x1B800] =	vst v63  }
0x11b: {  	s11 =	simm.s32 $0x18400  }
0x11c: {  	[tilespmem:s11], [sflag:$0x3] =	stream.indirect_vreg.gather [hbm4b:s5+s3], $0x80, v3, vm1, $0xb8;
	[tilespmem:$0x1B800] =	vst v63  }
0x11d: {  	v3 =	vld [tilespmem:$0x140];
	_ =	sdelay $0x4  }
0x11e: {  	v26 =	vshrl.u32 v3, $0x3  }
0x11f: {  	v4 =	vmul.u32 $0x18, v26  }
0x120: {  	v3 =	vand.u32 $0x7, v3  }
0x121: {  	v3 =	vor.u32 v3, v4  }
0x122: {  	v4 =	vperm.xlane v3, v0;
	_ =	sdelay $0x1  }
0x123: {  	v4 =	vadd.s32 v1, v4;
	_ =	sdelay $0x1  }
0x124: {  	v3 =	vperm.xlane v3, v2;
	_ =	sdelay $0x1  }
0x125: {  	s11 =	simm.s32 $0x18800;
	v3 =	vadd.s32 v1, v3  }
0x126: {  	[tilespmem:s11], [sflag:$0x3] =	stream.indirect_vreg.gather [hbm4b:s2+s3], $0x80, v4, vm0, $0xb8;
	[tilespmem:$0x1B800] =	vst v63  }
0x127: {  	s11 =	simm.s32 $0x19000  }
0x128: {  	[tilespmem:s11], [sflag:$0x3] =	stream.indirect_vreg.gather [hbm4b:s5+s3], $0x80, v4, vm1, $0xb8;
	[tilespmem:$0x1B800] =	vst v63  }
0x129: {  	s11 =	simm.s32 $0x19400  }
0x12a: {  	[tilespmem:s11], [sflag:$0x3] =	stream.indirect_vreg.gather [hbm4b:s2+s3], $0x80, v3, vm0, $0xb8;
	[tilespmem:$0x1B800] =	vst v63  }
0x12b: {  	s11 =	simm.s32 $0x19C00  }
0x12c: {  	[tilespmem:s11], [sflag:$0x3] =	stream.indirect_vreg.gather [hbm4b:s5+s3], $0x80, v3, vm1, $0xb8;
	[tilespmem:$0x1B800] =	vst v63  }
0x12d: {  	v3 =	vld [tilespmem:$0x150];
	_ =	sdelay $0x4  }
0x12e: {  	v27 =	vshrl.u32 v3, $0x3  }
0x12f: {  	v4 =	vmul.u32 $0x18, v27  }
0x130: {  	v3 =	vand.u32 $0x7, v3  }
0x131: {  	v3 =	vor.u32 v3, v4  }
0x132: {  	v4 =	vperm.xlane v3, v0;
	_ =	sdelay $0x1  }
0x133: {  	v4 =	vadd.s32 v1, v4;
	_ =	sdelay $0x1  }
0x134: {  	v3 =	vperm.xlane v3, v2;
	_ =	sdelay $0x1  }
0x135: {  	s11 =	simm.s32 $0x1A000;
	v3 =	vadd.s32 v1, v3  }
0x136: {  	[tilespmem:s11], [sflag:$0x3] =	stream.indirect_vreg.gather [hbm4b:s2+s3], $0x80, v4, vm0, $0xb8;
	[tilespmem:$0x1B800] =	vst v63  }
0x137: {  	s11 =	simm.s32 $0x1A800  }
0x138: {  	[tilespmem:s11], [sflag:$0x3] =	stream.indirect_vreg.gather [hbm4b:s5+s3], $0x80, v4, vm1, $0xb8;
	[tilespmem:$0x1B800] =	vst v63  }
0x139: {  	s11 =	simm.s32 $0x1AC00  }
0x13a: {  	[tilespmem:s11], [sflag:$0x3] =	stream.indirect_vreg.gather [hbm4b:s2+s3], $0x80, v3, vm0, $0xb8;
	[tilespmem:$0x1B800] =	vst v63  }
0x13b: {  	s11 =	simm.s32 $0x1B400  }
0x13c: {  	[tilespmem:s11], [sflag:$0x3] =	stream.indirect_vreg.gather [hbm4b:s5+s3], $0x80, v3, vm1, $0xb8;
	[tilespmem:$0x1B800] =	vst v63  }
0x13d: {  	_ =	swait.ge [sflag:s4], $0x9000  }
0x13e: {  	[sflag:s4] =	ssyncset.done $0x0  }
0x13f: {  	s11 =	rddreg [dreg:$0xd];
	[sflag:s4] =	ssyncadd.s32 $0xFFFF7000  }
0x140: {  	[hbm4b:s11+s3] =	stream.linear.scatter [tilespmem:s8], [sflag:$0x4], $0x9000, $0x38;
	[tilespmem:$0x1B800] =	vst v63  }
0x141: {  	_ =	swait.ge [sflag:s7], $0x9000  }
0x142: {  	[sflag:s7] =	ssyncset.done $0x0  }
0x143: {  	[sflag:s7] =	ssyncadd.s32 $0xFFFF7000  }
0x144: {  	v3 =	vld [tilespmem:$0x180];
	_ =	sdelay $0x4  }
0x145: {  	v28 =	vshrl.u32 v3, $0x3  }
0x146: {  	v4 =	vmul.u32 $0x18, v28  }
0x147: {  	v3 =	vand.u32 $0x7, v3  }
0x148: {  	v3 =	vor.u32 v3, v4  }
0x149: {  	v4 =	vperm.xlane v3, v0;
	_ =	sdelay $0x1  }
0x14a: {  	v4 =	vadd.s32 v1, v4;
	_ =	sdelay $0x1  }
0x14b: {  	v3 =	vperm.xlane v3, v2;
	_ =	sdelay $0x1  }
0x14c: {  	v3 =	vadd.s32 v1, v3  }
0x14d: {  	[tilespmem:s8], [sflag:$0x1] =	stream.indirect_vreg.gather [hbm4b:s2+s3], $0x80, v4, vm0, $0xb8;
	[tilespmem:$0x1B800] =	vst v63  }
0x14e: {  	_ = 	snop  }
0x14f: {  	[tilespmem:s12], [sflag:$0x1] =	stream.indirect_vreg.gather [hbm4b:s5+s3], $0x80, v4, vm1, $0xb8;
	[tilespmem:$0x1B800] =	vst v63  }
0x150: {  	_ = 	snop  }
0x151: {  	[tilespmem:s13], [sflag:$0x1] =	stream.indirect_vreg.gather [hbm4b:s2+s3], $0x80, v3, vm0, $0xb8;
	[tilespmem:$0x1B800] =	vst v63  }
0x152: {  	_ = 	snop  }
0x153: {  	[tilespmem:s14], [sflag:$0x1] =	stream.indirect_vreg.gather [hbm4b:s5+s3], $0x80, v3, vm1, $0xb8;
	[tilespmem:$0x1B800] =	vst v63  }
0x154: {  	v3 =	vld [tilespmem:$0x190];
	_ =	sdelay $0x4  }
0x155: {  	v29 =	vshrl.u32 v3, $0x3  }
0x156: {  	v4 =	vmul.u32 $0x18, v29  }
0x157: {  	v3 =	vand.u32 $0x7, v3  }
0x158: {  	v3 =	vor.u32 v3, v4  }
0x159: {  	v4 =	vperm.xlane v3, v0;
	_ =	sdelay $0x1  }
0x15a: {  	v4 =	vadd.s32 v1, v4;
	_ =	sdelay $0x1  }
0x15b: {  	v3 =	vperm.xlane v3, v2;
	_ =	sdelay $0x1  }
0x15c: {  	v3 =	vadd.s32 v1, v3  }
0x15d: {  	[tilespmem:s15], [sflag:$0x1] =	stream.indirect_vreg.gather [hbm4b:s2+s3], $0x80, v4, vm0, $0xb8;
	[tilespmem:$0x1B800] =	vst v63  }
0x15e: {  	_ = 	snop  }
0x15f: {  	[tilespmem:s16], [sflag:$0x1] =	stream.indirect_vreg.gather [hbm4b:s5+s3], $0x80, v4, vm1, $0xb8;
	[tilespmem:$0x1B800] =	vst v63  }
0x160: {  	_ = 	snop  }
0x161: {  	[tilespmem:s17], [sflag:$0x1] =	stream.indirect_vreg.gather [hbm4b:s2+s3], $0x80, v3, vm0, $0xb8;
	[tilespmem:$0x1B800] =	vst v63  }
0x162: {  	_ = 	snop  }
0x163: {  	[tilespmem:s18], [sflag:$0x1] =	stream.indirect_vreg.gather [hbm4b:s5+s3], $0x80, v3, vm1, $0xb8;
	[tilespmem:$0x1B800] =	vst v63  }
0x164: {  	v3 =	vld [tilespmem:$0x1A0];
	_ =	sdelay $0x4  }
0x165: {  	v30 =	vshrl.u32 v3, $0x3  }
0x166: {  	v4 =	vmul.u32 $0x18, v30  }
0x167: {  	v3 =	vand.u32 $0x7, v3  }
0x168: {  	v3 =	vor.u32 v3, v4  }
0x169: {  	v4 =	vperm.xlane v3, v0;
	_ =	sdelay $0x1  }
0x16a: {  	v4 =	vadd.s32 v1, v4;
	_ =	sdelay $0x1  }
0x16b: {  	v3 =	vperm.xlane v3, v2;
	_ =	sdelay $0x1  }
0x16c: {  	v3 =	vadd.s32 v1, v3  }
0x16d: {  	[tilespmem:s19], [sflag:$0x1] =	stream.indirect_vreg.gather [hbm4b:s2+s3], $0x80, v4, vm0, $0xb8;
	[tilespmem:$0x1B800] =	vst v63  }
0x16e: {  	_ = 	snop  }
0x16f: {  	[tilespmem:s20], [sflag:$0x1] =	stream.indirect_vreg.gather [hbm4b:s5+s3], $0x80, v4, vm1, $0xb8;
	[tilespmem:$0x1B800] =	vst v63  }
0x170: {  	_ = 	snop  }
0x171: {  	[tilespmem:s21], [sflag:$0x1] =	stream.indirect_vreg.gather [hbm4b:s2+s3], $0x80, v3, vm0, $0xb8;
	[tilespmem:$0x1B800] =	vst v63  }
0x172: {  	_ = 	snop  }
0x173: {  	[tilespmem:s22], [sflag:$0x1] =	stream.indirect_vreg.gather [hbm4b:s5+s3], $0x80, v3, vm1, $0xb8;
	[tilespmem:$0x1B800] =	vst v63  }
0x174: {  	v3 =	vld [tilespmem:$0x1B0];
	_ =	sdelay $0x4  }
0x175: {  	v31 =	vshrl.u32 v3, $0x3  }
0x176: {  	v4 =	vmul.u32 $0x18, v31  }
0x177: {  	v3 =	vand.u32 $0x7, v3  }
0x178: {  	v3 =	vor.u32 v3, v4  }
0x179: {  	v4 =	vperm.xlane v3, v0;
	_ =	sdelay $0x1  }
0x17a: {  	v4 =	vadd.s32 v1, v4;
	_ =	sdelay $0x1  }
0x17b: {  	v3 =	vperm.xlane v3, v2;
	_ =	sdelay $0x1  }
0x17c: {  	v3 =	vadd.s32 v1, v3  }
0x17d: {  	[tilespmem:s23], [sflag:$0x1] =	stream.indirect_vreg.gather [hbm4b:s2+s3], $0x80, v4, vm0, $0xb8;
	[tilespmem:$0x1B800] =	vst v63  }
0x17e: {  	_ = 	snop  }
0x17f: {  	[tilespmem:s24], [sflag:$0x1] =	stream.indirect_vreg.gather [hbm4b:s5+s3], $0x80, v4, vm1, $0xb8;
	[tilespmem:$0x1B800] =	vst v63  }
0x180: {  	_ = 	snop  }
0x181: {  	[tilespmem:s25], [sflag:$0x1] =	stream.indirect_vreg.gather [hbm4b:s2+s3], $0x80, v3, vm0, $0xb8;
	[tilespmem:$0x1B800] =	vst v63  }
0x182: {  	_ = 	snop  }
0x183: {  	[tilespmem:s26], [sflag:$0x1] =	stream.indirect_vreg.gather [hbm4b:s5+s3], $0x80, v3, vm1, $0xb8;
	[tilespmem:$0x1B800] =	vst v63  }
0x184: {  	v3 =	vld [tilespmem:$0x1C0];
	_ =	sdelay $0x4  }
0x185: {  	v32 =	vshrl.u32 v3, $0x3  }
0x186: {  	v4 =	vmul.u32 $0x18, v32  }
0x187: {  	v3 =	vand.u32 $0x7, v3  }
0x188: {  	v3 =	vor.u32 v3, v4  }
0x189: {  	v4 =	vperm.xlane v3, v0;
	_ =	sdelay $0x1  }
0x18a: {  	v4 =	vadd.s32 v1, v4;
	_ =	sdelay $0x1  }
0x18b: {  	v3 =	vperm.xlane v3, v2;
	_ =	sdelay $0x1  }
0x18c: {  	v3 =	vadd.s32 v1, v3  }
0x18d: {  	[tilespmem:s28], [sflag:$0x1] =	stream.indirect_vreg.gather [hbm4b:s2+s3], $0x80, v4, vm0, $0xb8;
	[tilespmem:$0x1B800] =	vst v63  }
0x18e: {  	_ = 	snop  }
0x18f: {  	[tilespmem:s29], [sflag:$0x1] =	stream.indirect_vreg.gather [hbm4b:s5+s3], $0x80, v4, vm1, $0xb8;
	[tilespmem:$0x1B800] =	vst v63  }
0x190: {  	_ = 	snop  }
0x191: {  	[tilespmem:s30], [sflag:$0x1] =	stream.indirect_vreg.gather [hbm4b:s2+s3], $0x80, v3, vm0, $0xb8;
	[tilespmem:$0x1B800] =	vst v63  }
0x192: {  	_ = 	snop  }
0x193: {  	[tilespmem:s31], [sflag:$0x1] =	stream.indirect_vreg.gather [hbm4b:s5+s3], $0x80, v3, vm1, $0xb8;
	[tilespmem:$0x1B800] =	vst v63  }
0x194: {  	v3 =	vld [tilespmem:$0x1D0];
	_ =	sdelay $0x4  }
0x195: {  	v33 =	vshrl.u32 v3, $0x3  }
0x196: {  	v4 =	vmul.u32 $0x18, v33  }
0x197: {  	v3 =	vand.u32 $0x7, v3  }
0x198: {  	v3 =	vor.u32 v3, v4  }
0x199: {  	v4 =	vperm.xlane v3, v0;
	_ =	sdelay $0x1  }
0x19a: {  	v4 =	vadd.s32 v1, v4;
	_ =	sdelay $0x1  }
0x19b: {  	v3 =	vperm.xlane v3, v2;
	_ =	sdelay $0x1  }
0x19c: {  	s11 =	simm.s32 $0x8000;
	v3 =	vadd.s32 v1, v3  }
0x19d: {  	[tilespmem:s11], [sflag:$0x1] =	stream.indirect_vreg.gather [hbm4b:s2+s3], $0x80, v4, vm0, $0xb8;
	[tilespmem:$0x1B800] =	vst v63  }
0x19e: {  	s11 =	simm.s32 $0x8800  }
0x19f: {  	[tilespmem:s11], [sflag:$0x1] =	stream.indirect_vreg.gather [hbm4b:s5+s3], $0x80, v4, vm1, $0xb8;
	[tilespmem:$0x1B800] =	vst v63  }
0x1a0: {  	s11 =	simm.s32 $0x8C00  }
0x1a1: {  	[tilespmem:s11], [sflag:$0x1] =	stream.indirect_vreg.gather [hbm4b:s2+s3], $0x80, v3, vm0, $0xb8;
	[tilespmem:$0x1B800] =	vst v63  }
0x1a2: {  	s11 =	simm.s32 $0x9400  }
0x1a3: {  	[tilespmem:s11], [sflag:$0x1] =	stream.indirect_vreg.gather [hbm4b:s5+s3], $0x80, v3, vm1, $0xb8;
	[tilespmem:$0x1B800] =	vst v63  }
0x1a4: {  	_ =	swait.ge [sflag:s9], $0x9000  }
0x1a5: {  	[sflag:s9] =	ssyncset.done $0x0  }
0x1a6: {  	s11 =	rddreg [dreg:$0x5];
	[sflag:s9] =	ssyncadd.s32 $0xFFFF7000  }
0x1a7: {  	[hbm4b:s11+s3] =	stream.linear.scatter [tilespmem:s1], [sflag:$0x4], $0x9000, $0x38;
	[tilespmem:$0x1B800] =	vst v63  }
0x1a8: {  	_ =	swait.ge [sflag:s7], $0x9000  }
0x1a9: {  	[sflag:s7] =	ssyncset.done $0x0  }
0x1aa: {  	[sflag:s7] =	ssyncadd.s32 $0xFFFF7000  }
0x1ab: {  	v3 =	vld [tilespmem:$0x200];
	_ =	sdelay $0x4  }
0x1ac: {  	v34 =	vshrl.u32 v3, $0x3  }
0x1ad: {  	v4 =	vmul.u32 $0x18, v34  }
0x1ae: {  	v3 =	vand.u32 $0x7, v3  }
0x1af: {  	v3 =	vor.u32 v3, v4  }
0x1b0: {  	v4 =	vperm.xlane v3, v0;
	_ =	sdelay $0x1  }
0x1b1: {  	v4 =	vadd.s32 v1, v4;
	_ =	sdelay $0x1  }
0x1b2: {  	v3 =	vperm.xlane v3, v2;
	_ =	sdelay $0x1  }
0x1b3: {  	v3 =	vadd.s32 v1, v3  }
0x1b4: {  	[tilespmem:s1], [sflag:$0x2] =	stream.indirect_vreg.gather [hbm4b:s2+s3], $0x80, v4, vm0, $0xb8;
	[tilespmem:$0x1B800] =	vst v63  }
0x1b5: {  	s11 =	simm.s32 $0xA000  }
0x1b6: {  	[tilespmem:s11], [sflag:$0x2] =	stream.indirect_vreg.gather [hbm4b:s5+s3], $0x80, v4, vm1, $0xb8;
	[tilespmem:$0x1B800] =	vst v63  }
0x1b7: {  	s11 =	simm.s32 $0xA400  }
0x1b8: {  	[tilespmem:s11], [sflag:$0x2] =	stream.indirect_vreg.gather [hbm4b:s2+s3], $0x80, v3, vm0, $0xb8;
	[tilespmem:$0x1B800] =	vst v63  }
0x1b9: {  	s11 =	simm.s32 $0xAC00  }
0x1ba: {  	[tilespmem:s11], [sflag:$0x2] =	stream.indirect_vreg.gather [hbm4b:s5+s3], $0x80, v3, vm1, $0xb8;
	[tilespmem:$0x1B800] =	vst v63  }
0x1bb: {  	v3 =	vld [tilespmem:$0x210];
	_ =	sdelay $0x4  }
0x1bc: {  	v35 =	vshrl.u32 v3, $0x3  }
0x1bd: {  	v4 =	vmul.u32 $0x18, v35  }
0x1be: {  	v3 =	vand.u32 $0x7, v3  }
0x1bf: {  	v3 =	vor.u32 v3, v4  }
0x1c0: {  	v4 =	vperm.xlane v3, v0;
	_ =	sdelay $0x1  }
0x1c1: {  	v4 =	vadd.s32 v1, v4;
	_ =	sdelay $0x1  }
0x1c2: {  	v3 =	vperm.xlane v3, v2;
	_ =	sdelay $0x1  }
0x1c3: {  	s11 =	simm.s32 $0xB000;
	v3 =	vadd.s32 v1, v3  }
0x1c4: {  	[tilespmem:s11], [sflag:$0x2] =	stream.indirect_vreg.gather [hbm4b:s2+s3], $0x80, v4, vm0, $0xb8;
	[tilespmem:$0x1B800] =	vst v63  }
0x1c5: {  	s11 =	simm.s32 $0xB800  }
0x1c6: {  	[tilespmem:s11], [sflag:$0x2] =	stream.indirect_vreg.gather [hbm4b:s5+s3], $0x80, v4, vm1, $0xb8;
	[tilespmem:$0x1B800] =	vst v63  }
0x1c7: {  	s11 =	simm.s32 $0xBC00  }
0x1c8: {  	[tilespmem:s11], [sflag:$0x2] =	stream.indirect_vreg.gather [hbm4b:s2+s3], $0x80, v3, vm0, $0xb8;
	[tilespmem:$0x1B800] =	vst v63  }
0x1c9: {  	s11 =	simm.s32 $0xC400  }
0x1ca: {  	[tilespmem:s11], [sflag:$0x2] =	stream.indirect_vreg.gather [hbm4b:s5+s3], $0x80, v3, vm1, $0xb8;
	[tilespmem:$0x1B800] =	vst v63  }
0x1cb: {  	v3 =	vld [tilespmem:$0x220];
	_ =	sdelay $0x4  }
0x1cc: {  	v36 =	vshrl.u32 v3, $0x3  }
0x1cd: {  	v4 =	vmul.u32 $0x18, v36  }
0x1ce: {  	v3 =	vand.u32 $0x7, v3  }
0x1cf: {  	v3 =	vor.u32 v3, v4  }
0x1d0: {  	v4 =	vperm.xlane v3, v0;
	_ =	sdelay $0x1  }
0x1d1: {  	v4 =	vadd.s32 v1, v4;
	_ =	sdelay $0x1  }
0x1d2: {  	v3 =	vperm.xlane v3, v2;
	_ =	sdelay $0x1  }
0x1d3: {  	s11 =	simm.s32 $0xC800;
	v3 =	vadd.s32 v1, v3  }
0x1d4: {  	[tilespmem:s11], [sflag:$0x2] =	stream.indirect_vreg.gather [hbm4b:s2+s3], $0x80, v4, vm0, $0xb8;
	[tilespmem:$0x1B800] =	vst v63  }
0x1d5: {  	s11 =	simm.s32 $0xD000  }
0x1d6: {  	[tilespmem:s11], [sflag:$0x2] =	stream.indirect_vreg.gather [hbm4b:s5+s3], $0x80, v4, vm1, $0xb8;
	[tilespmem:$0x1B800] =	vst v63  }
0x1d7: {  	s11 =	simm.s32 $0xD400  }
0x1d8: {  	[tilespmem:s11], [sflag:$0x2] =	stream.indirect_vreg.gather [hbm4b:s2+s3], $0x80, v3, vm0, $0xb8;
	[tilespmem:$0x1B800] =	vst v63  }
0x1d9: {  	s11 =	simm.s32 $0xDC00  }
0x1da: {  	[tilespmem:s11], [sflag:$0x2] =	stream.indirect_vreg.gather [hbm4b:s5+s3], $0x80, v3, vm1, $0xb8;
	[tilespmem:$0x1B800] =	vst v63  }
0x1db: {  	v3 =	vld [tilespmem:$0x230];
	_ =	sdelay $0x4  }
0x1dc: {  	v37 =	vshrl.u32 v3, $0x3  }
0x1dd: {  	v4 =	vmul.u32 $0x18, v37  }
0x1de: {  	v3 =	vand.u32 $0x7, v3  }
0x1df: {  	v3 =	vor.u32 v3, v4  }
0x1e0: {  	v4 =	vperm.xlane v3, v0;
	_ =	sdelay $0x1  }
0x1e1: {  	v4 =	vadd.s32 v1, v4;
	_ =	sdelay $0x1  }
0x1e2: {  	v3 =	vperm.xlane v3, v2;
	_ =	sdelay $0x1  }
0x1e3: {  	s11 =	simm.s32 $0xE000;
	v3 =	vadd.s32 v1, v3  }
0x1e4: {  	[tilespmem:s11], [sflag:$0x2] =	stream.indirect_vreg.gather [hbm4b:s2+s3], $0x80, v4, vm0, $0xb8;
	[tilespmem:$0x1B800] =	vst v63  }
0x1e5: {  	s11 =	simm.s32 $0xE800  }
0x1e6: {  	[tilespmem:s11], [sflag:$0x2] =	stream.indirect_vreg.gather [hbm4b:s5+s3], $0x80, v4, vm1, $0xb8;
	[tilespmem:$0x1B800] =	vst v63  }
0x1e7: {  	s11 =	simm.s32 $0xEC00  }
0x1e8: {  	[tilespmem:s11], [sflag:$0x2] =	stream.indirect_vreg.gather [hbm4b:s2+s3], $0x80, v3, vm0, $0xb8;
	[tilespmem:$0x1B800] =	vst v63  }
0x1e9: {  	s11 =	simm.s32 $0xF400  }
0x1ea: {  	[tilespmem:s11], [sflag:$0x2] =	stream.indirect_vreg.gather [hbm4b:s5+s3], $0x80, v3, vm1, $0xb8;
	[tilespmem:$0x1B800] =	vst v63  }
0x1eb: {  	v3 =	vld [tilespmem:$0x240];
	_ =	sdelay $0x4  }
0x1ec: {  	v38 =	vshrl.u32 v3, $0x3  }
0x1ed: {  	v4 =	vmul.u32 $0x18, v38  }
0x1ee: {  	v3 =	vand.u32 $0x7, v3  }
0x1ef: {  	v3 =	vor.u32 v3, v4  }
0x1f0: {  	v4 =	vperm.xlane v3, v0;
	_ =	sdelay $0x1  }
0x1f1: {  	v4 =	vadd.s32 v1, v4;
	_ =	sdelay $0x1  }
0x1f2: {  	v3 =	vperm.xlane v3, v2;
	_ =	sdelay $0x1  }
0x1f3: {  	s11 =	simm.s32 $0xF800;
	v3 =	vadd.s32 v1, v3  }
0x1f4: {  	[tilespmem:s11], [sflag:$0x2] =	stream.indirect_vreg.gather [hbm4b:s2+s3], $0x80, v4, vm0, $0xb8;
	[tilespmem:$0x1B800] =	vst v63  }
0x1f5: {  	s11 =	simm.s32 $0x10000  }
0x1f6: {  	[tilespmem:s11], [sflag:$0x2] =	stream.indirect_vreg.gather [hbm4b:s5+s3], $0x80, v4, vm1, $0xb8;
	[tilespmem:$0x1B800] =	vst v63  }
0x1f7: {  	s11 =	simm.s32 $0x10400  }
0x1f8: {  	[tilespmem:s11], [sflag:$0x2] =	stream.indirect_vreg.gather [hbm4b:s2+s3], $0x80, v3, vm0, $0xb8;
	[tilespmem:$0x1B800] =	vst v63  }
0x1f9: {  	s11 =	simm.s32 $0x10C00  }
0x1fa: {  	[tilespmem:s11], [sflag:$0x2] =	stream.indirect_vreg.gather [hbm4b:s5+s3], $0x80, v3, vm1, $0xb8;
	[tilespmem:$0x1B800] =	vst v63  }
0x1fb: {  	v3 =	vld [tilespmem:$0x250];
	_ =	sdelay $0x4  }
0x1fc: {  	v39 =	vshrl.u32 v3, $0x3  }
0x1fd: {  	v4 =	vmul.u32 $0x18, v39  }
0x1fe: {  	v3 =	vand.u32 $0x7, v3  }
0x1ff: {  	v3 =	vor.u32 v3, v4  }
0x200: {  	v4 =	vperm.xlane v3, v0;
	_ =	sdelay $0x1  }
0x201: {  	v4 =	vadd.s32 v1, v4;
	_ =	sdelay $0x1  }
0x202: {  	v3 =	vperm.xlane v3, v2;
	_ =	sdelay $0x1  }
0x203: {  	s11 =	simm.s32 $0x11000;
	v3 =	vadd.s32 v1, v3  }
0x204: {  	[tilespmem:s11], [sflag:$0x2] =	stream.indirect_vreg.gather [hbm4b:s2+s3], $0x80, v4, vm0, $0xb8;
	[tilespmem:$0x1B800] =	vst v63  }
0x205: {  	s11 =	simm.s32 $0x11800  }
0x206: {  	[tilespmem:s11], [sflag:$0x2] =	stream.indirect_vreg.gather [hbm4b:s5+s3], $0x80, v4, vm1, $0xb8;
	[tilespmem:$0x1B800] =	vst v63  }
0x207: {  	s11 =	simm.s32 $0x11C00  }
0x208: {  	[tilespmem:s11], [sflag:$0x2] =	stream.indirect_vreg.gather [hbm4b:s2+s3], $0x80, v3, vm0, $0xb8;
	[tilespmem:$0x1B800] =	vst v63  }
0x209: {  	s11 =	simm.s32 $0x12400  }
0x20a: {  	[tilespmem:s11], [sflag:$0x2] =	stream.indirect_vreg.gather [hbm4b:s5+s3], $0x80, v3, vm1, $0xb8;
	[tilespmem:$0x1B800] =	vst v63  }
0x20b: {  	_ =	swait.ge [sflag:s10], $0x9000  }
0x20c: {  	[sflag:s10] =	ssyncset.done $0x0  }
0x20d: {  	s11 =	rddreg [dreg:$0x6];
	[sflag:s10] =	ssyncadd.s32 $0xFFFF7000  }
0x20e: {  	[hbm4b:s11+s3] =	stream.linear.scatter [tilespmem:s0], [sflag:$0x4], $0x9000, $0x38;
	[tilespmem:$0x1B800] =	vst v63  }
0x20f: {  	_ =	swait.ge [sflag:s7], $0x9000  }
0x210: {  	[sflag:s7] =	ssyncset.done $0x0  }
0x211: {  	[sflag:s7] =	ssyncadd.s32 $0xFFFF7000  }
0x212: {  	v3 =	vld [tilespmem:$0x280];
	_ =	sdelay $0x4  }
0x213: {  	v40 =	vshrl.u32 v3, $0x3  }
0x214: {  	v4 =	vmul.u32 $0x18, v40  }
0x215: {  	v3 =	vand.u32 $0x7, v3  }
0x216: {  	v3 =	vor.u32 v3, v4  }
0x217: {  	v4 =	vperm.xlane v3, v0;
	_ =	sdelay $0x1  }
0x218: {  	v4 =	vadd.s32 v1, v4;
	_ =	sdelay $0x1  }
0x219: {  	v3 =	vperm.xlane v3, v2;
	_ =	sdelay $0x1  }
0x21a: {  	v3 =	vadd.s32 v1, v3  }
0x21b: {  	[tilespmem:s0], [sflag:$0x3] =	stream.indirect_vreg.gather [hbm4b:s2+s3], $0x80, v4, vm0, $0xb8;
	[tilespmem:$0x1B800] =	vst v63  }
0x21c: {  	s11 =	simm.s32 $0x13000  }
0x21d: {  	[tilespmem:s11], [sflag:$0x3] =	stream.indirect_vreg.gather [hbm4b:s5+s3], $0x80, v4, vm1, $0xb8;
	[tilespmem:$0x1B800] =	vst v63  }
0x21e: {  	s11 =	simm.s32 $0x13400  }
0x21f: {  	[tilespmem:s11], [sflag:$0x3] =	stream.indirect_vreg.gather [hbm4b:s2+s3], $0x80, v3, vm0, $0xb8;
	[tilespmem:$0x1B800] =	vst v63  }
0x220: {  	s11 =	simm.s32 $0x13C00  }
0x221: {  	[tilespmem:s11], [sflag:$0x3] =	stream.indirect_vreg.gather [hbm4b:s5+s3], $0x80, v3, vm1, $0xb8;
	[tilespmem:$0x1B800] =	vst v63  }
0x222: {  	v3 =	vld [tilespmem:$0x290];
	_ =	sdelay $0x4  }
0x223: {  	v41 =	vshrl.u32 v3, $0x3  }
0x224: {  	v4 =	vmul.u32 $0x18, v41  }
0x225: {  	v3 =	vand.u32 $0x7, v3  }
0x226: {  	v3 =	vor.u32 v3, v4  }
0x227: {  	v4 =	vperm.xlane v3, v0;
	_ =	sdelay $0x1  }
0x228: {  	v4 =	vadd.s32 v1, v4;
	_ =	sdelay $0x1  }
0x229: {  	v3 =	vperm.xlane v3, v2;
	_ =	sdelay $0x1  }
0x22a: {  	s11 =	simm.s32 $0x14000;
	v3 =	vadd.s32 v1, v3  }
0x22b: {  	[tilespmem:s11], [sflag:$0x3] =	stream.indirect_vreg.gather [hbm4b:s2+s3], $0x80, v4, vm0, $0xb8;
	[tilespmem:$0x1B800] =	vst v63  }
0x22c: {  	s11 =	simm.s32 $0x14800  }
0x22d: {  	[tilespmem:s11], [sflag:$0x3] =	stream.indirect_vreg.gather [hbm4b:s5+s3], $0x80, v4, vm1, $0xb8;
	[tilespmem:$0x1B800] =	vst v63  }
0x22e: {  	s11 =	simm.s32 $0x14C00  }
0x22f: {  	[tilespmem:s11], [sflag:$0x3] =	stream.indirect_vreg.gather [hbm4b:s2+s3], $0x80, v3, vm0, $0xb8;
	[tilespmem:$0x1B800] =	vst v63  }
0x230: {  	s11 =	simm.s32 $0x15400  }
0x231: {  	[tilespmem:s11], [sflag:$0x3] =	stream.indirect_vreg.gather [hbm4b:s5+s3], $0x80, v3, vm1, $0xb8;
	[tilespmem:$0x1B800] =	vst v63  }
0x232: {  	v3 =	vld [tilespmem:$0x2A0];
	_ =	sdelay $0x4  }
0x233: {  	v42 =	vshrl.u32 v3, $0x3  }
0x234: {  	v4 =	vmul.u32 $0x18, v42  }
0x235: {  	v3 =	vand.u32 $0x7, v3  }
0x236: {  	v3 =	vor.u32 v3, v4  }
0x237: {  	v4 =	vperm.xlane v3, v0;
	_ =	sdelay $0x1  }
0x238: {  	v4 =	vadd.s32 v1, v4;
	_ =	sdelay $0x1  }
0x239: {  	v3 =	vperm.xlane v3, v2;
	_ =	sdelay $0x1  }
0x23a: {  	s11 =	simm.s32 $0x15800;
	v3 =	vadd.s32 v1, v3  }
0x23b: {  	[tilespmem:s11], [sflag:$0x3] =	stream.indirect_vreg.gather [hbm4b:s2+s3], $0x80, v4, vm0, $0xb8;
	[tilespmem:$0x1B800] =	vst v63  }
0x23c: {  	s11 =	simm.s32 $0x16000  }
0x23d: {  	[tilespmem:s11], [sflag:$0x3] =	stream.indirect_vreg.gather [hbm4b:s5+s3], $0x80, v4, vm1, $0xb8;
	[tilespmem:$0x1B800] =	vst v63  }
0x23e: {  	s11 =	simm.s32 $0x16400  }
0x23f: {  	[tilespmem:s11], [sflag:$0x3] =	stream.indirect_vreg.gather [hbm4b:s2+s3], $0x80, v3, vm0, $0xb8;
	[tilespmem:$0x1B800] =	vst v63  }
0x240: {  	s11 =	simm.s32 $0x16C00  }
0x241: {  	[tilespmem:s11], [sflag:$0x3] =	stream.indirect_vreg.gather [hbm4b:s5+s3], $0x80, v3, vm1, $0xb8;
	[tilespmem:$0x1B800] =	vst v63  }
0x242: {  	v3 =	vld [tilespmem:$0x2B0];
	_ =	sdelay $0x4  }
0x243: {  	v43 =	vshrl.u32 v3, $0x3  }
0x244: {  	v4 =	vmul.u32 $0x18, v43  }
0x245: {  	v3 =	vand.u32 $0x7, v3  }
0x246: {  	v3 =	vor.u32 v3, v4  }
0x247: {  	v4 =	vperm.xlane v3, v0;
	_ =	sdelay $0x1  }
0x248: {  	v4 =	vadd.s32 v1, v4;
	_ =	sdelay $0x1  }
0x249: {  	v3 =	vperm.xlane v3, v2;
	_ =	sdelay $0x1  }
0x24a: {  	s11 =	simm.s32 $0x17000;
	v3 =	vadd.s32 v1, v3  }
0x24b: {  	[tilespmem:s11], [sflag:$0x3] =	stream.indirect_vreg.gather [hbm4b:s2+s3], $0x80, v4, vm0, $0xb8;
	[tilespmem:$0x1B800] =	vst v63  }
0x24c: {  	s11 =	simm.s32 $0x17800  }
0x24d: {  	[tilespmem:s11], [sflag:$0x3] =	stream.indirect_vreg.gather [hbm4b:s5+s3], $0x80, v4, vm1, $0xb8;
	[tilespmem:$0x1B800] =	vst v63  }
0x24e: {  	s11 =	simm.s32 $0x17C00  }
0x24f: {  	[tilespmem:s11], [sflag:$0x3] =	stream.indirect_vreg.gather [hbm4b:s2+s3], $0x80, v3, vm0, $0xb8;
	[tilespmem:$0x1B800] =	vst v63  }
0x250: {  	s11 =	simm.s32 $0x18400  }
0x251: {  	[tilespmem:s11], [sflag:$0x3] =	stream.indirect_vreg.gather [hbm4b:s5+s3], $0x80, v3, vm1, $0xb8;
	[tilespmem:$0x1B800] =	vst v63  }
0x252: {  	v3 =	vld [tilespmem:$0x2C0];
	_ =	sdelay $0x4  }
0x253: {  	v44 =	vshrl.u32 v3, $0x3  }
0x254: {  	v4 =	vmul.u32 $0x18, v44  }
0x255: {  	v3 =	vand.u32 $0x7, v3  }
0x256: {  	v3 =	vor.u32 v3, v4  }
0x257: {  	v4 =	vperm.xlane v3, v0;
	_ =	sdelay $0x1  }
0x258: {  	v4 =	vadd.s32 v1, v4;
	_ =	sdelay $0x1  }
0x259: {  	v3 =	vperm.xlane v3, v2;
	_ =	sdelay $0x1  }
0x25a: {  	s11 =	simm.s32 $0x18800;
	v3 =	vadd.s32 v1, v3  }
0x25b: {  	[tilespmem:s11], [sflag:$0x3] =	stream.indirect_vreg.gather [hbm4b:s2+s3], $0x80, v4, vm0, $0xb8;
	[tilespmem:$0x1B800] =	vst v63  }
0x25c: {  	s11 =	simm.s32 $0x19000  }
0x25d: {  	[tilespmem:s11], [sflag:$0x3] =	stream.indirect_vreg.gather [hbm4b:s5+s3], $0x80, v4, vm1, $0xb8;
	[tilespmem:$0x1B800] =	vst v63  }
0x25e: {  	s11 =	simm.s32 $0x19400  }
0x25f: {  	[tilespmem:s11], [sflag:$0x3] =	stream.indirect_vreg.gather [hbm4b:s2+s3], $0x80, v3, vm0, $0xb8;
	[tilespmem:$0x1B800] =	vst v63  }
0x260: {  	s11 =	simm.s32 $0x19C00  }
0x261: {  	[tilespmem:s11], [sflag:$0x3] =	stream.indirect_vreg.gather [hbm4b:s5+s3], $0x80, v3, vm1, $0xb8;
	[tilespmem:$0x1B800] =	vst v63  }
0x262: {  	v3 =	vld [tilespmem:$0x2D0];
	_ =	sdelay $0x4  }
0x263: {  	v45 =	vshrl.u32 v3, $0x3  }
0x264: {  	v4 =	vmul.u32 $0x18, v45  }
0x265: {  	v3 =	vand.u32 $0x7, v3  }
0x266: {  	v3 =	vor.u32 v3, v4  }
0x267: {  	v4 =	vperm.xlane v3, v0;
	_ =	sdelay $0x1  }
0x268: {  	v4 =	vadd.s32 v1, v4;
	_ =	sdelay $0x1  }
0x269: {  	v3 =	vperm.xlane v3, v2;
	_ =	sdelay $0x1  }
0x26a: {  	s11 =	simm.s32 $0x1A000;
	v3 =	vadd.s32 v1, v3  }
0x26b: {  	[tilespmem:s11], [sflag:$0x3] =	stream.indirect_vreg.gather [hbm4b:s2+s3], $0x80, v4, vm0, $0xb8;
	[tilespmem:$0x1B800] =	vst v63  }
0x26c: {  	s11 =	simm.s32 $0x1A800  }
0x26d: {  	[tilespmem:s11], [sflag:$0x3] =	stream.indirect_vreg.gather [hbm4b:s5+s3], $0x80, v4, vm1, $0xb8;
	[tilespmem:$0x1B800] =	vst v63  }
0x26e: {  	s11 =	simm.s32 $0x1AC00  }
0x26f: {  	[tilespmem:s11], [sflag:$0x3] =	stream.indirect_vreg.gather [hbm4b:s2+s3], $0x80, v3, vm0, $0xb8;
	[tilespmem:$0x1B800] =	vst v63  }
0x270: {  	s11 =	simm.s32 $0x1B400  }
0x271: {  	[tilespmem:s11], [sflag:$0x3] =	stream.indirect_vreg.gather [hbm4b:s5+s3], $0x80, v3, vm1, $0xb8;
	[tilespmem:$0x1B800] =	vst v63  }
0x272: {  	_ =	swait.ge [sflag:s4], $0x9000  }
0x273: {  	[sflag:s4] =	ssyncset.done $0x0  }
0x274: {  	s11 =	rddreg [dreg:$0x7];
	[sflag:s4] =	ssyncadd.s32 $0xFFFF7000  }
0x275: {  	[hbm4b:s11+s3] =	stream.linear.scatter [tilespmem:s8], [sflag:$0x4], $0x9000, $0x38;
	[tilespmem:$0x1B800] =	vst v63  }
0x276: {  	_ =	swait.ge [sflag:s7], $0x9000  }
0x277: {  	[sflag:s7] =	ssyncset.done $0x0  }
0x278: {  	[sflag:s7] =	ssyncadd.s32 $0xFFFF7000  }
0x279: {  	v3 =	vld [tilespmem:$0x300];
	_ =	sdelay $0x4  }
0x27a: {  	v46 =	vshrl.u32 v3, $0x3  }
0x27b: {  	v4 =	vmul.u32 $0x18, v46  }
0x27c: {  	v3 =	vand.u32 $0x7, v3  }
0x27d: {  	v3 =	vor.u32 v3, v4  }
0x27e: {  	v4 =	vperm.xlane v3, v0;
	_ =	sdelay $0x1  }
0x27f: {  	v4 =	vadd.s32 v1, v4;
	_ =	sdelay $0x1  }
0x280: {  	v3 =	vperm.xlane v3, v2;
	_ =	sdelay $0x1  }
0x281: {  	v3 =	vadd.s32 v1, v3  }
0x282: {  	[tilespmem:s8], [sflag:$0x1] =	stream.indirect_vreg.gather [hbm4b:s2+s3], $0x80, v4, vm0, $0xb8;
	[tilespmem:$0x1B800] =	vst v63  }
0x283: {  	_ = 	snop  }
0x284: {  	[tilespmem:s12], [sflag:$0x1] =	stream.indirect_vreg.gather [hbm4b:s5+s3], $0x80, v4, vm1, $0xb8;
	[tilespmem:$0x1B800] =	vst v63  }
0x285: {  	_ = 	snop  }
0x286: {  	[tilespmem:s13], [sflag:$0x1] =	stream.indirect_vreg.gather [hbm4b:s2+s3], $0x80, v3, vm0, $0xb8;
	[tilespmem:$0x1B800] =	vst v63  }
0x287: {  	_ = 	snop  }
0x288: {  	[tilespmem:s14], [sflag:$0x1] =	stream.indirect_vreg.gather [hbm4b:s5+s3], $0x80, v3, vm1, $0xb8;
	[tilespmem:$0x1B800] =	vst v63  }
0x289: {  	v3 =	vld [tilespmem:$0x310];
	_ =	sdelay $0x4  }
0x28a: {  	v47 =	vshrl.u32 v3, $0x3  }
0x28b: {  	v4 =	vmul.u32 $0x18, v47  }
0x28c: {  	v3 =	vand.u32 $0x7, v3  }
0x28d: {  	v3 =	vor.u32 v3, v4  }
0x28e: {  	v4 =	vperm.xlane v3, v0;
	_ =	sdelay $0x1  }
0x28f: {  	v4 =	vadd.s32 v1, v4;
	_ =	sdelay $0x1  }
0x290: {  	v3 =	vperm.xlane v3, v2;
	_ =	sdelay $0x1  }
0x291: {  	v3 =	vadd.s32 v1, v3  }
0x292: {  	[tilespmem:s15], [sflag:$0x1] =	stream.indirect_vreg.gather [hbm4b:s2+s3], $0x80, v4, vm0, $0xb8;
	[tilespmem:$0x1B800] =	vst v63  }
0x293: {  	_ = 	snop  }
0x294: {  	[tilespmem:s16], [sflag:$0x1] =	stream.indirect_vreg.gather [hbm4b:s5+s3], $0x80, v4, vm1, $0xb8;
	[tilespmem:$0x1B800] =	vst v63  }
0x295: {  	_ = 	snop  }
0x296: {  	[tilespmem:s17], [sflag:$0x1] =	stream.indirect_vreg.gather [hbm4b:s2+s3], $0x80, v3, vm0, $0xb8;
	[tilespmem:$0x1B800] =	vst v63  }
0x297: {  	_ = 	snop  }
0x298: {  	[tilespmem:s18], [sflag:$0x1] =	stream.indirect_vreg.gather [hbm4b:s5+s3], $0x80, v3, vm1, $0xb8;
	[tilespmem:$0x1B800] =	vst v63  }
0x299: {  	v3 =	vld [tilespmem:$0x320];
	_ =	sdelay $0x4  }
0x29a: {  	v48 =	vshrl.u32 v3, $0x3  }
0x29b: {  	v4 =	vmul.u32 $0x18, v48  }
0x29c: {  	v3 =	vand.u32 $0x7, v3  }
0x29d: {  	v3 =	vor.u32 v3, v4  }
0x29e: {  	v4 =	vperm.xlane v3, v0;
	_ =	sdelay $0x1  }
0x29f: {  	v4 =	vadd.s32 v1, v4;
	_ =	sdelay $0x1  }
0x2a0: {  	v3 =	vperm.xlane v3, v2;
	_ =	sdelay $0x1  }
0x2a1: {  	v3 =	vadd.s32 v1, v3  }
0x2a2: {  	[tilespmem:s19], [sflag:$0x1] =	stream.indirect_vreg.gather [hbm4b:s2+s3], $0x80, v4, vm0, $0xb8;
	[tilespmem:$0x1B800] =	vst v63  }
0x2a3: {  	_ = 	snop  }
0x2a4: {  	[tilespmem:s20], [sflag:$0x1] =	stream.indirect_vreg.gather [hbm4b:s5+s3], $0x80, v4, vm1, $0xb8;
	[tilespmem:$0x1B800] =	vst v63  }
0x2a5: {  	_ = 	snop  }
0x2a6: {  	[tilespmem:s21], [sflag:$0x1] =	stream.indirect_vreg.gather [hbm4b:s2+s3], $0x80, v3, vm0, $0xb8;
	[tilespmem:$0x1B800] =	vst v63  }
0x2a7: {  	_ = 	snop  }
0x2a8: {  	[tilespmem:s22], [sflag:$0x1] =	stream.indirect_vreg.gather [hbm4b:s5+s3], $0x80, v3, vm1, $0xb8;
	[tilespmem:$0x1B800] =	vst v63  }
0x2a9: {  	v3 =	vld [tilespmem:$0x330];
	_ =	sdelay $0x4  }
0x2aa: {  	v49 =	vshrl.u32 v3, $0x3  }
0x2ab: {  	v4 =	vmul.u32 $0x18, v49  }
0x2ac: {  	v3 =	vand.u32 $0x7, v3  }
0x2ad: {  	v3 =	vor.u32 v3, v4  }
0x2ae: {  	v4 =	vperm.xlane v3, v0;
	_ =	sdelay $0x1  }
0x2af: {  	v4 =	vadd.s32 v1, v4;
	_ =	sdelay $0x1  }
0x2b0: {  	v3 =	vperm.xlane v3, v2;
	_ =	sdelay $0x1  }
0x2b1: {  	v3 =	vadd.s32 v1, v3  }
0x2b2: {  	[tilespmem:s23], [sflag:$0x1] =	stream.indirect_vreg.gather [hbm4b:s2+s3], $0x80, v4, vm0, $0xb8;
	[tilespmem:$0x1B800] =	vst v63  }
0x2b3: {  	_ = 	snop  }
0x2b4: {  	[tilespmem:s24], [sflag:$0x1] =	stream.indirect_vreg.gather [hbm4b:s5+s3], $0x80, v4, vm1, $0xb8;
	[tilespmem:$0x1B800] =	vst v63  }
0x2b5: {  	_ = 	snop  }
0x2b6: {  	[tilespmem:s25], [sflag:$0x1] =	stream.indirect_vreg.gather [hbm4b:s2+s3], $0x80, v3, vm0, $0xb8;
	[tilespmem:$0x1B800] =	vst v63  }
0x2b7: {  	_ = 	snop  }
0x2b8: {  	[tilespmem:s26], [sflag:$0x1] =	stream.indirect_vreg.gather [hbm4b:s5+s3], $0x80, v3, vm1, $0xb8;
	[tilespmem:$0x1B800] =	vst v63  }
0x2b9: {  	v3 =	vld [tilespmem:$0x340];
	_ =	sdelay $0x4  }
0x2ba: {  	v50 =	vshrl.u32 v3, $0x3  }
0x2bb: {  	v4 =	vmul.u32 $0x18, v50  }
0x2bc: {  	v3 =	vand.u32 $0x7, v3  }
0x2bd: {  	v3 =	vor.u32 v3, v4  }
0x2be: {  	v4 =	vperm.xlane v3, v0;
	_ =	sdelay $0x1  }
0x2bf: {  	v4 =	vadd.s32 v1, v4;
	_ =	sdelay $0x1  }
0x2c0: {  	v3 =	vperm.xlane v3, v2;
	_ =	sdelay $0x1  }
0x2c1: {  	v3 =	vadd.s32 v1, v3  }
0x2c2: {  	[tilespmem:s28], [sflag:$0x1] =	stream.indirect_vreg.gather [hbm4b:s2+s3], $0x80, v4, vm0, $0xb8;
	[tilespmem:$0x1B800] =	vst v63  }
0x2c3: {  	_ = 	snop  }
0x2c4: {  	[tilespmem:s29], [sflag:$0x1] =	stream.indirect_vreg.gather [hbm4b:s5+s3], $0x80, v4, vm1, $0xb8;
	[tilespmem:$0x1B800] =	vst v63  }
0x2c5: {  	_ = 	snop  }
0x2c6: {  	[tilespmem:s30], [sflag:$0x1] =	stream.indirect_vreg.gather [hbm4b:s2+s3], $0x80, v3, vm0, $0xb8;
	[tilespmem:$0x1B800] =	vst v63  }
0x2c7: {  	_ = 	snop  }
0x2c8: {  	[tilespmem:s31], [sflag:$0x1] =	stream.indirect_vreg.gather [hbm4b:s5+s3], $0x80, v3, vm1, $0xb8;
	[tilespmem:$0x1B800] =	vst v63  }
0x2c9: {  	v3 =	vld [tilespmem:$0x350];
	_ =	sdelay $0x4  }
0x2ca: {  	v51 =	vshrl.u32 v3, $0x3  }
0x2cb: {  	v4 =	vmul.u32 $0x18, v51  }
0x2cc: {  	v3 =	vand.u32 $0x7, v3  }
0x2cd: {  	v3 =	vor.u32 v3, v4  }
0x2ce: {  	v4 =	vperm.xlane v3, v0;
	_ =	sdelay $0x1  }
0x2cf: {  	v4 =	vadd.s32 v1, v4;
	_ =	sdelay $0x1  }
0x2d0: {  	v3 =	vperm.xlane v3, v2;
	_ =	sdelay $0x1  }
0x2d1: {  	s11 =	simm.s32 $0x8000;
	v3 =	vadd.s32 v1, v3  }
0x2d2: {  	[tilespmem:s11], [sflag:$0x1] =	stream.indirect_vreg.gather [hbm4b:s2+s3], $0x80, v4, vm0, $0xb8;
	[tilespmem:$0x1B800] =	vst v63  }
0x2d3: {  	s11 =	simm.s32 $0x8800  }
0x2d4: {  	[tilespmem:s11], [sflag:$0x1] =	stream.indirect_vreg.gather [hbm4b:s5+s3], $0x80, v4, vm1, $0xb8;
	[tilespmem:$0x1B800] =	vst v63  }
0x2d5: {  	s11 =	simm.s32 $0x8C00  }
0x2d6: {  	[tilespmem:s11], [sflag:$0x1] =	stream.indirect_vreg.gather [hbm4b:s2+s3], $0x80, v3, vm0, $0xb8;
	[tilespmem:$0x1B800] =	vst v63  }
0x2d7: {  	s11 =	simm.s32 $0x9400  }
0x2d8: {  	[tilespmem:s11], [sflag:$0x1] =	stream.indirect_vreg.gather [hbm4b:s5+s3], $0x80, v3, vm1, $0xb8;
	[tilespmem:$0x1B800] =	vst v63  }
0x2d9: {  	_ =	swait.ge [sflag:s9], $0x9000  }
0x2da: {  	[sflag:s9] =	ssyncset.done $0x0  }
0x2db: {  	s11 =	rddreg [dreg:$0x8];
	[sflag:s9] =	ssyncadd.s32 $0xFFFF7000  }
0x2dc: {  	[hbm4b:s11+s3] =	stream.linear.scatter [tilespmem:s1], [sflag:$0x4], $0x9000, $0x38;
	[tilespmem:$0x1B800] =	vst v63  }
0x2dd: {  	_ =	swait.ge [sflag:s7], $0x9000  }
0x2de: {  	[sflag:s7] =	ssyncset.done $0x0  }
0x2df: {  	[sflag:s7] =	ssyncadd.s32 $0xFFFF7000  }
0x2e0: {  	v3 =	vld [tilespmem:$0x380];
	_ =	sdelay $0x4  }
0x2e1: {  	v52 =	vshrl.u32 v3, $0x3  }
0x2e2: {  	v4 =	vmul.u32 $0x18, v52  }
0x2e3: {  	v3 =	vand.u32 $0x7, v3  }
0x2e4: {  	v3 =	vor.u32 v3, v4  }
0x2e5: {  	v4 =	vperm.xlane v3, v0;
	_ =	sdelay $0x1  }
0x2e6: {  	v4 =	vadd.s32 v1, v4;
	_ =	sdelay $0x1  }
0x2e7: {  	v3 =	vperm.xlane v3, v2;
	_ =	sdelay $0x1  }
0x2e8: {  	v3 =	vadd.s32 v1, v3  }
0x2e9: {  	[tilespmem:s1], [sflag:$0x2] =	stream.indirect_vreg.gather [hbm4b:s2+s3], $0x80, v4, vm0, $0xb8;
	[tilespmem:$0x1B800] =	vst v63  }
0x2ea: {  	s11 =	simm.s32 $0xA000  }
0x2eb: {  	[tilespmem:s11], [sflag:$0x2] =	stream.indirect_vreg.gather [hbm4b:s5+s3], $0x80, v4, vm1, $0xb8;
	[tilespmem:$0x1B800] =	vst v63  }
0x2ec: {  	s11 =	simm.s32 $0xA400  }
0x2ed: {  	[tilespmem:s11], [sflag:$0x2] =	stream.indirect_vreg.gather [hbm4b:s2+s3], $0x80, v3, vm0, $0xb8;
	[tilespmem:$0x1B800] =	vst v63  }
0x2ee: {  	s11 =	simm.s32 $0xAC00  }
0x2ef: {  	[tilespmem:s11], [sflag:$0x2] =	stream.indirect_vreg.gather [hbm4b:s5+s3], $0x80, v3, vm1, $0xb8;
	[tilespmem:$0x1B800] =	vst v63  }
0x2f0: {  	v3 =	vld [tilespmem:$0x390];
	_ =	sdelay $0x4  }
0x2f1: {  	v53 =	vshrl.u32 v3, $0x3  }
0x2f2: {  	v4 =	vmul.u32 $0x18, v53  }
0x2f3: {  	v3 =	vand.u32 $0x7, v3  }
0x2f4: {  	v3 =	vor.u32 v3, v4  }
0x2f5: {  	v4 =	vperm.xlane v3, v0;
	_ =	sdelay $0x1  }
0x2f6: {  	v4 =	vadd.s32 v1, v4;
	_ =	sdelay $0x1  }
0x2f7: {  	v3 =	vperm.xlane v3, v2;
	_ =	sdelay $0x1  }
0x2f8: {  	s11 =	simm.s32 $0xB000;
	v3 =	vadd.s32 v1, v3  }
0x2f9: {  	[tilespmem:s11], [sflag:$0x2] =	stream.indirect_vreg.gather [hbm4b:s2+s3], $0x80, v4, vm0, $0xb8;
	[tilespmem:$0x1B800] =	vst v63  }
0x2fa: {  	s11 =	simm.s32 $0xB800  }
0x2fb: {  	[tilespmem:s11], [sflag:$0x2] =	stream.indirect_vreg.gather [hbm4b:s5+s3], $0x80, v4, vm1, $0xb8;
	[tilespmem:$0x1B800] =	vst v63  }
0x2fc: {  	s11 =	simm.s32 $0xBC00  }
0x2fd: {  	[tilespmem:s11], [sflag:$0x2] =	stream.indirect_vreg.gather [hbm4b:s2+s3], $0x80, v3, vm0, $0xb8;
	[tilespmem:$0x1B800] =	vst v63  }
0x2fe: {  	s11 =	simm.s32 $0xC400  }
0x2ff: {  	[tilespmem:s11], [sflag:$0x2] =	stream.indirect_vreg.gather [hbm4b:s5+s3], $0x80, v3, vm1, $0xb8;
	[tilespmem:$0x1B800] =	vst v63  }
0x300: {  	v3 =	vld [tilespmem:$0x3A0];
	_ =	sdelay $0x4  }
0x301: {  	v54 =	vshrl.u32 v3, $0x3  }
0x302: {  	v4 =	vmul.u32 $0x18, v54  }
0x303: {  	v3 =	vand.u32 $0x7, v3  }
0x304: {  	v3 =	vor.u32 v3, v4  }
0x305: {  	v4 =	vperm.xlane v3, v0;
	_ =	sdelay $0x1  }
0x306: {  	v4 =	vadd.s32 v1, v4;
	_ =	sdelay $0x1  }
0x307: {  	v3 =	vperm.xlane v3, v2;
	_ =	sdelay $0x1  }
0x308: {  	s11 =	simm.s32 $0xC800;
	v3 =	vadd.s32 v1, v3  }
0x309: {  	[tilespmem:s11], [sflag:$0x2] =	stream.indirect_vreg.gather [hbm4b:s2+s3], $0x80, v4, vm0, $0xb8;
	[tilespmem:$0x1B800] =	vst v63  }
0x30a: {  	s11 =	simm.s32 $0xD000  }
0x30b: {  	[tilespmem:s11], [sflag:$0x2] =	stream.indirect_vreg.gather [hbm4b:s5+s3], $0x80, v4, vm1, $0xb8;
	[tilespmem:$0x1B800] =	vst v63  }
0x30c: {  	s11 =	simm.s32 $0xD400  }
0x30d: {  	[tilespmem:s11], [sflag:$0x2] =	stream.indirect_vreg.gather [hbm4b:s2+s3], $0x80, v3, vm0, $0xb8;
	[tilespmem:$0x1B800] =	vst v63  }
0x30e: {  	s11 =	simm.s32 $0xDC00  }
0x30f: {  	[tilespmem:s11], [sflag:$0x2] =	stream.indirect_vreg.gather [hbm4b:s5+s3], $0x80, v3, vm1, $0xb8;
	[tilespmem:$0x1B800] =	vst v63  }
0x310: {  	v3 =	vld [tilespmem:$0x3B0];
	_ =	sdelay $0x4  }
0x311: {  	v55 =	vshrl.u32 v3, $0x3  }
0x312: {  	v4 =	vmul.u32 $0x18, v55  }
0x313: {  	v3 =	vand.u32 $0x7, v3  }
0x314: {  	v3 =	vor.u32 v3, v4  }
0x315: {  	v4 =	vperm.xlane v3, v0;
	_ =	sdelay $0x1  }
0x316: {  	v4 =	vadd.s32 v1, v4;
	_ =	sdelay $0x1  }
0x317: {  	v3 =	vperm.xlane v3, v2;
	_ =	sdelay $0x1  }
0x318: {  	s11 =	simm.s32 $0xE000;
	v3 =	vadd.s32 v1, v3  }
0x319: {  	[tilespmem:s11], [sflag:$0x2] =	stream.indirect_vreg.gather [hbm4b:s2+s3], $0x80, v4, vm0, $0xb8;
	[tilespmem:$0x1B800] =	vst v63  }
0x31a: {  	s11 =	simm.s32 $0xE800  }
0x31b: {  	[tilespmem:s11], [sflag:$0x2] =	stream.indirect_vreg.gather [hbm4b:s5+s3], $0x80, v4, vm1, $0xb8;
	[tilespmem:$0x1B800] =	vst v63  }
0x31c: {  	s11 =	simm.s32 $0xEC00  }
0x31d: {  	[tilespmem:s11], [sflag:$0x2] =	stream.indirect_vreg.gather [hbm4b:s2+s3], $0x80, v3, vm0, $0xb8;
	[tilespmem:$0x1B800] =	vst v63  }
0x31e: {  	s11 =	simm.s32 $0xF400  }
0x31f: {  	[tilespmem:s11], [sflag:$0x2] =	stream.indirect_vreg.gather [hbm4b:s5+s3], $0x80, v3, vm1, $0xb8;
	[tilespmem:$0x1B800] =	vst v63  }
0x320: {  	v3 =	vld [tilespmem:$0x3C0];
	_ =	sdelay $0x4  }
0x321: {  	v56 =	vshrl.u32 v3, $0x3  }
0x322: {  	v4 =	vmul.u32 $0x18, v56  }
0x323: {  	v3 =	vand.u32 $0x7, v3  }
0x324: {  	v3 =	vor.u32 v3, v4  }
0x325: {  	v4 =	vperm.xlane v3, v0;
	_ =	sdelay $0x1  }
0x326: {  	v4 =	vadd.s32 v1, v4;
	_ =	sdelay $0x1  }
0x327: {  	v3 =	vperm.xlane v3, v2;
	_ =	sdelay $0x1  }
0x328: {  	s11 =	simm.s32 $0xF800;
	v3 =	vadd.s32 v1, v3  }
0x329: {  	[tilespmem:s11], [sflag:$0x2] =	stream.indirect_vreg.gather [hbm4b:s2+s3], $0x80, v4, vm0, $0xb8;
	[tilespmem:$0x1B800] =	vst v63  }
0x32a: {  	s11 =	simm.s32 $0x10000  }
0x32b: {  	[tilespmem:s11], [sflag:$0x2] =	stream.indirect_vreg.gather [hbm4b:s5+s3], $0x80, v4, vm1, $0xb8;
	[tilespmem:$0x1B800] =	vst v63  }
0x32c: {  	s11 =	simm.s32 $0x10400  }
0x32d: {  	[tilespmem:s11], [sflag:$0x2] =	stream.indirect_vreg.gather [hbm4b:s2+s3], $0x80, v3, vm0, $0xb8;
	[tilespmem:$0x1B800] =	vst v63  }
0x32e: {  	s11 =	simm.s32 $0x10C00  }
0x32f: {  	[tilespmem:s11], [sflag:$0x2] =	stream.indirect_vreg.gather [hbm4b:s5+s3], $0x80, v3, vm1, $0xb8;
	[tilespmem:$0x1B800] =	vst v63  }
0x330: {  	v3 =	vld [tilespmem:$0x3D0];
	_ =	sdelay $0x4  }
0x331: {  	v57 =	vshrl.u32 v3, $0x3  }
0x332: {  	v4 =	vmul.u32 $0x18, v57  }
0x333: {  	v3 =	vand.u32 $0x7, v3  }
0x334: {  	v3 =	vor.u32 v3, v4  }
0x335: {  	v4 =	vperm.xlane v3, v0;
	_ =	sdelay $0x1  }
0x336: {  	v4 =	vadd.s32 v1, v4;
	_ =	sdelay $0x1  }
0x337: {  	v3 =	vperm.xlane v3, v2;
	_ =	sdelay $0x1  }
0x338: {  	s11 =	simm.s32 $0x11000;
	v3 =	vadd.s32 v1, v3  }
0x339: {  	[tilespmem:s11], [sflag:$0x2] =	stream.indirect_vreg.gather [hbm4b:s2+s3], $0x80, v4, vm0, $0xb8;
	[tilespmem:$0x1B800] =	vst v63  }
0x33a: {  	s11 =	simm.s32 $0x11800  }
0x33b: {  	[tilespmem:s11], [sflag:$0x2] =	stream.indirect_vreg.gather [hbm4b:s5+s3], $0x80, v4, vm1, $0xb8;
	[tilespmem:$0x1B800] =	vst v63  }
0x33c: {  	s11 =	simm.s32 $0x11C00  }
0x33d: {  	[tilespmem:s11], [sflag:$0x2] =	stream.indirect_vreg.gather [hbm4b:s2+s3], $0x80, v3, vm0, $0xb8;
	[tilespmem:$0x1B800] =	vst v63  }
0x33e: {  	s11 =	simm.s32 $0x12400  }
0x33f: {  	[tilespmem:s11], [sflag:$0x2] =	stream.indirect_vreg.gather [hbm4b:s5+s3], $0x80, v3, vm1, $0xb8;
	[tilespmem:$0x1B800] =	vst v63  }
0x340: {  	_ =	swait.ge [sflag:s10], $0x9000  }
0x341: {  	[sflag:s10] =	ssyncset.done $0x0  }
0x342: {  	s11 =	rddreg [dreg:$0x9];
	[sflag:s10] =	ssyncadd.s32 $0xFFFF7000  }
0x343: {  	[hbm4b:s11+s3] =	stream.linear.scatter [tilespmem:s0], [sflag:$0x4], $0x9000, $0x38;
	[tilespmem:$0x1B800] =	vst v63  }
0x344: {  	_ =	swait.ge [sflag:s7], $0x9000  }
0x345: {  	[sflag:s7] =	ssyncset.done $0x0  }
0x346: {  	[sflag:s7] =	ssyncadd.s32 $0xFFFF7000  }
0x347: {  	v3 =	vld [tilespmem:$0x400];
	_ =	sdelay $0x4  }
0x348: {  	v58 =	vshrl.u32 v3, $0x3  }
0x349: {  	v4 =	vmul.u32 $0x18, v58  }
0x34a: {  	v3 =	vand.u32 $0x7, v3  }
0x34b: {  	v3 =	vor.u32 v3, v4  }
0x34c: {  	v4 =	vperm.xlane v3, v0;
	_ =	sdelay $0x1  }
0x34d: {  	v4 =	vadd.s32 v1, v4;
	_ =	sdelay $0x1  }
0x34e: {  	v3 =	vperm.xlane v3, v2;
	_ =	sdelay $0x1  }
0x34f: {  	v3 =	vadd.s32 v1, v3  }
0x350: {  	[tilespmem:s0], [sflag:$0x3] =	stream.indirect_vreg.gather [hbm4b:s2+s3], $0x80, v4, vm0, $0xb8;
	[tilespmem:$0x1B800] =	vst v63  }
0x351: {  	s11 =	simm.s32 $0x13000  }
0x352: {  	[tilespmem:s11], [sflag:$0x3] =	stream.indirect_vreg.gather [hbm4b:s5+s3], $0x80, v4, vm1, $0xb8;
	[tilespmem:$0x1B800] =	vst v63  }
0x353: {  	s11 =	simm.s32 $0x13400  }
0x354: {  	[tilespmem:s11], [sflag:$0x3] =	stream.indirect_vreg.gather [hbm4b:s2+s3], $0x80, v3, vm0, $0xb8;
	[tilespmem:$0x1B800] =	vst v63  }
0x355: {  	s11 =	simm.s32 $0x13C00  }
0x356: {  	[tilespmem:s11], [sflag:$0x3] =	stream.indirect_vreg.gather [hbm4b:s5+s3], $0x80, v3, vm1, $0xb8;
	[tilespmem:$0x1B800] =	vst v63  }
0x357: {  	v3 =	vld [tilespmem:$0x410];
	_ =	sdelay $0x4  }
0x358: {  	v59 =	vshrl.u32 v3, $0x3  }
0x359: {  	v4 =	vmul.u32 $0x18, v59  }
0x35a: {  	v3 =	vand.u32 $0x7, v3  }
0x35b: {  	v3 =	vor.u32 v3, v4  }
0x35c: {  	v4 =	vperm.xlane v3, v0;
	_ =	sdelay $0x1  }
0x35d: {  	v4 =	vadd.s32 v1, v4;
	_ =	sdelay $0x1  }
0x35e: {  	v3 =	vperm.xlane v3, v2;
	_ =	sdelay $0x1  }
0x35f: {  	s11 =	simm.s32 $0x14000;
	v3 =	vadd.s32 v1, v3  }
0x360: {  	[tilespmem:s11], [sflag:$0x3] =	stream.indirect_vreg.gather [hbm4b:s2+s3], $0x80, v4, vm0, $0xb8;
	[tilespmem:$0x1B800] =	vst v63  }
0x361: {  	s11 =	simm.s32 $0x14800  }
0x362: {  	[tilespmem:s11], [sflag:$0x3] =	stream.indirect_vreg.gather [hbm4b:s5+s3], $0x80, v4, vm1, $0xb8;
	[tilespmem:$0x1B800] =	vst v63  }
0x363: {  	s11 =	simm.s32 $0x14C00  }
0x364: {  	[tilespmem:s11], [sflag:$0x3] =	stream.indirect_vreg.gather [hbm4b:s2+s3], $0x80, v3, vm0, $0xb8;
	[tilespmem:$0x1B800] =	vst v63  }
0x365: {  	s11 =	simm.s32 $0x15400  }
0x366: {  	[tilespmem:s11], [sflag:$0x3] =	stream.indirect_vreg.gather [hbm4b:s5+s3], $0x80, v3, vm1, $0xb8;
	[tilespmem:$0x1B800] =	vst v63  }
0x367: {  	v3 =	vld [tilespmem:$0x420];
	_ =	sdelay $0x4  }
0x368: {  	v60 =	vshrl.u32 v3, $0x3  }
0x369: {  	v4 =	vmul.u32 $0x18, v60  }
0x36a: {  	v3 =	vand.u32 $0x7, v3  }
0x36b: {  	v3 =	vor.u32 v3, v4  }
0x36c: {  	v4 =	vperm.xlane v3, v0;
	_ =	sdelay $0x1  }
0x36d: {  	v4 =	vadd.s32 v1, v4;
	_ =	sdelay $0x1  }
0x36e: {  	v3 =	vperm.xlane v3, v2;
	_ =	sdelay $0x1  }
0x36f: {  	s11 =	simm.s32 $0x15800;
	v3 =	vadd.s32 v1, v3  }
0x370: {  	[tilespmem:s11], [sflag:$0x3] =	stream.indirect_vreg.gather [hbm4b:s2+s3], $0x80, v4, vm0, $0xb8;
	[tilespmem:$0x1B800] =	vst v63  }
0x371: {  	s11 =	simm.s32 $0x16000  }
0x372: {  	[tilespmem:s11], [sflag:$0x3] =	stream.indirect_vreg.gather [hbm4b:s5+s3], $0x80, v4, vm1, $0xb8;
	[tilespmem:$0x1B800] =	vst v63  }
0x373: {  	s11 =	simm.s32 $0x16400  }
0x374: {  	[tilespmem:s11], [sflag:$0x3] =	stream.indirect_vreg.gather [hbm4b:s2+s3], $0x80, v3, vm0, $0xb8;
	[tilespmem:$0x1B800] =	vst v63  }
0x375: {  	s11 =	simm.s32 $0x16C00  }
0x376: {  	[tilespmem:s11], [sflag:$0x3] =	stream.indirect_vreg.gather [hbm4b:s5+s3], $0x80, v3, vm1, $0xb8;
	[tilespmem:$0x1B800] =	vst v63  }
0x377: {  	v3 =	vld [tilespmem:$0x430];
	_ =	sdelay $0x4  }
0x378: {  	v61 =	vshrl.u32 v3, $0x3  }
0x379: {  	v4 =	vmul.u32 $0x18, v61  }
0x37a: {  	v3 =	vand.u32 $0x7, v3  }
0x37b: {  	v3 =	vor.u32 v3, v4  }
0x37c: {  	v4 =	vperm.xlane v3, v0;
	_ =	sdelay $0x1  }
0x37d: {  	v4 =	vadd.s32 v1, v4;
	_ =	sdelay $0x1  }
0x37e: {  	v3 =	vperm.xlane v3, v2;
	_ =	sdelay $0x1  }
0x37f: {  	s11 =	simm.s32 $0x17000;
	v3 =	vadd.s32 v1, v3  }
0x380: {  	[tilespmem:s11], [sflag:$0x3] =	stream.indirect_vreg.gather [hbm4b:s2+s3], $0x80, v4, vm0, $0xb8;
	[tilespmem:$0x1B800] =	vst v63  }
0x381: {  	s11 =	simm.s32 $0x17800  }
0x382: {  	[tilespmem:s11], [sflag:$0x3] =	stream.indirect_vreg.gather [hbm4b:s5+s3], $0x80, v4, vm1, $0xb8;
	[tilespmem:$0x1B800] =	vst v63  }
0x383: {  	s11 =	simm.s32 $0x17C00  }
0x384: {  	[tilespmem:s11], [sflag:$0x3] =	stream.indirect_vreg.gather [hbm4b:s2+s3], $0x80, v3, vm0, $0xb8;
	[tilespmem:$0x1B800] =	vst v63  }
0x385: {  	s11 =	simm.s32 $0x18400  }
0x386: {  	[tilespmem:s11], [sflag:$0x3] =	stream.indirect_vreg.gather [hbm4b:s5+s3], $0x80, v3, vm1, $0xb8;
	[tilespmem:$0x1B800] =	vst v63  }
0x387: {  	v3 =	vld [tilespmem:$0x440];
	_ =	sdelay $0x4  }
0x388: {  	v62 =	vshrl.u32 v3, $0x3  }
0x389: {  	v4 =	vmul.u32 $0x18, v62  }
0x38a: {  	v3 =	vand.u32 $0x7, v3  }
0x38b: {  	v3 =	vor.u32 v3, v4  }
0x38c: {  	v4 =	vperm.xlane v3, v0;
	_ =	sdelay $0x1  }
0x38d: {  	v4 =	vadd.s32 v1, v4;
	_ =	sdelay $0x1  }
0x38e: {  	v3 =	vperm.xlane v3, v2;
	_ =	sdelay $0x1  }
0x38f: {  	s11 =	simm.s32 $0x18800;
	v3 =	vadd.s32 v1, v3  }
0x390: {  	[tilespmem:s11], [sflag:$0x3] =	stream.indirect_vreg.gather [hbm4b:s2+s3], $0x80, v4, vm0, $0xb8;
	[tilespmem:$0x1B800] =	vst v63  }
0x391: {  	s11 =	simm.s32 $0x19000  }
0x392: {  	[tilespmem:s11], [sflag:$0x3] =	stream.indirect_vreg.gather [hbm4b:s5+s3], $0x80, v4, vm1, $0xb8;
	[tilespmem:$0x1B800] =	vst v63  }
0x393: {  	s11 =	simm.s32 $0x19400  }
0x394: {  	[tilespmem:s11], [sflag:$0x3] =	stream.indirect_vreg.gather [hbm4b:s2+s3], $0x80, v3, vm0, $0xb8;
	[tilespmem:$0x1B800] =	vst v63  }
0x395: {  	s11 =	simm.s32 $0x19C00  }
0x396: {  	[tilespmem:s11], [sflag:$0x3] =	stream.indirect_vreg.gather [hbm4b:s5+s3], $0x80, v3, vm1, $0xb8;
	[tilespmem:$0x1B800] =	vst v63  }
0x397: {  	v3 =	vld [tilespmem:$0x450];
	_ =	sdelay $0x4  }
0x398: {  	v63 =	vshrl.u32 v3, $0x3  }
0x399: {  	v4 =	vmul.u32 $0x18, v63  }
0x39a: {  	v3 =	vand.u32 $0x7, v3  }
0x39b: {  	v3 =	vor.u32 v3, v4  }
0x39c: {  	v4 =	vperm.xlane v3, v0;
	_ =	sdelay $0x1  }
0x39d: {  	v4 =	vadd.s32 v1, v4;
	_ =	sdelay $0x1  }
0x39e: {  	v3 =	vperm.xlane v3, v2;
	_ =	sdelay $0x1  }
0x39f: {  	s11 =	simm.s32 $0x1A000;
	v3 =	vadd.s32 v1, v3  }
0x3a0: {  	[tilespmem:s11], [sflag:$0x3] =	stream.indirect_vreg.gather [hbm4b:s2+s3], $0x80, v4, vm0, $0xb8;
	[tilespmem:$0x1B800] =	vst v63  }
0x3a1: {  	s11 =	simm.s32 $0x1A800  }
0x3a2: {  	[tilespmem:s11], [sflag:$0x3] =	stream.indirect_vreg.gather [hbm4b:s5+s3], $0x80, v4, vm1, $0xb8;
	[tilespmem:$0x1B800] =	vst v63  }
0x3a3: {  	s11 =	simm.s32 $0x1AC00  }
0x3a4: {  	[tilespmem:s11], [sflag:$0x3] =	stream.indirect_vreg.gather [hbm4b:s2+s3], $0x80, v3, vm0, $0xb8;
	[tilespmem:$0x1B800] =	vst v63  }
0x3a5: {  	s11 =	simm.s32 $0x1B400  }
0x3a6: {  	[tilespmem:s11], [sflag:$0x3] =	stream.indirect_vreg.gather [hbm4b:s5+s3], $0x80, v3, vm1, $0xb8;
	[tilespmem:$0x1B800] =	vst v63  }
0x3a7: {  	_ =	swait.ge [sflag:s4], $0x9000  }
0x3a8: {  	[sflag:s4] =	ssyncset.done $0x0  }
0x3a9: {  	s11 =	rddreg [dreg:$0xa];
	[sflag:s4] =	ssyncadd.s32 $0xFFFF7000  }
0x3aa: {  	[hbm4b:s11+s3] =	stream.linear.scatter [tilespmem:s8], [sflag:$0x4], $0x9000, $0x38;
	[tilespmem:$0x1B800] =	vst v63  }
0x3ab: {  	_ =	swait.ge [sflag:s7], $0x9000  }
0x3ac: {  	[sflag:s7] =	ssyncset.done $0x0  }
0x3ad: {  	[sflag:s7] =	ssyncadd.s32 $0xFFFF7000  }
0x3ae: {  	_ =	swait.ge [sflag:s9], $0x9000  }
0x3af: {  	[sflag:s9] =	ssyncset.done $0x0  }
0x3b0: {  	s11 =	rddreg [dreg:$0xb];
	[sflag:s9] =	ssyncadd.s32 $0xFFFF7000  }
0x3b1: {  	[hbm4b:s11+s3] =	stream.linear.scatter [tilespmem:s1], [sflag:$0x4], $0x9000, $0x38;
	[tilespmem:$0x1B800] =	vst v63  }
0x3b2: {  	_ =	swait.ge [sflag:s7], $0x9000  }
0x3b3: {  	[sflag:s7] =	ssyncset.done $0x0  }
0x3b4: {  	[sflag:s7] =	ssyncadd.s32 $0xFFFF7000  }
0x3b5: {  	_ =	swait.ge [sflag:s10], $0x9000  }
0x3b6: {  	p0 =	sne.s32 s6, $0x1;
	[sflag:s10] =	ssyncset.done $0x0  }
.Ltmp0:
0x3b7: {  	s11 =	rddreg [dreg:$0xc];
	[sflag:s10] =	ssyncadd.s32 $0xFFFF7000;
	(pc) =	sbr.rel @p0 .LBB2_1-.Ltmp0, $4  }
0x3b8: {  	[hbm4b:s11+s3] =	stream.linear.scatter [tilespmem:s0], [sflag:$0x4], $0x9000, $0x38;
	[tilespmem:$0x1B800] =	vst v63  }
0x3b9: {  	_ =	swait.ge [sflag:s7], $0x9000  }
0x3ba: {  	[sflag:s7] =	ssyncset.done $0x0  }
0x3bb: {  	s6 =	sadd.s32 $0xFFFFFFFF, s6;
	[sflag:s7] =	ssyncadd.s32 $0xFFFF7000  }
0x3bc: {  	_ =	sfence.sel $0x180000  }
0x3bd: {  	[bflag:$0x0] =	sbarrier.arrive $0xFFFF  }
0x3be: {  	_ =	strace $0x90000047  }
0x3bf: {  	s0 =	stileid.u32;
	[bflag:$0x2] =	sbarrier.arrive $0xFFFF  }
0x3c0: {  	p0 =	sne.s32 s0, $0x0;
	s0 =	rddreg [dreg:$0x3]  }
0x3c1: {  	s0 =	sadd.s32 @!p0 $0x100000, s0  }
0x3c2: {  	[sflag:s0] =	ssyncadd.tile.s32 @!p0 $0x1;
	_ =	shalt  }
.Lfunc_end2:
_tile_overlayer_lowered:
.L_overlay_start_2:
0x3c3: {  	(tag) =	ssettag $0x2  }
0x3c4: {  	s0 =	rddreg [dreg:$0x0];
	s2 =	stileid.u32  }
0x3c5: {  	s1 =	rddreg [dreg:$0x1];
	p0 =	sne.s32 s2, $0x0  }
0x3c6: {  	s3 =	rddreg [dreg:$0x2];
	[bflag:$0x3] =	sbarrier.arrive $0xFFFF;
	s2 =	simm.s32 @!p0 $0x1C04  }
0x3c7: {  	[timem:s3], [sflag:s2] =	dma.local @!p0 [hbm:s0], s1  }
0x3c8: {  	s0 =	simm.s32 @!p0 $0x4  }
0x3c9: {  	_ =	swait.ge @!p0 [sflag:s0], s1  }
0x3ca: {  	s1 =	ssub.s32 @!p0 $0x0, s1;
	[sflag:s0] =	ssyncset.done @!p0 $0x0  }
0x3cb: {  	[sflag:s0] =	ssyncadd.s32 @!p0 s1  }
0x3cc: {  	[bflag:$0x3] =	sbarrier.arrive $0xFFFF  }
0x3cd: {  	_ =	shalt  }

</sc_bundles>
